<compile_context>
chip_gen: v7x
topology: tpu7x:2x2x1
jax: 0.10.2.dev20260603
libtpu: 0.0.44.dev20260713+nightly
codegen_flags: <defaults>
</compile_context>

<pallas_src>
import functools

import numpy as np
import jax
import jax.numpy as jnp
from jax import lax
from jax.experimental import pallas as pl
from jax.experimental.pallas import tpu as pltpu
from jax.experimental.pallas import tpu_sc as plsc

N_NODES = 10000
N_EDGES = 320000
N_ATOMS = 21
N_CLASSES = 97
HID = 128
NG = 50
NL = 6
CUTOFF = 10.0

NC = 2
NS = 16
NW = NC * NS
CB = 64
NCHUNK = N_EDGES // CB
STRIPE = 624
TAIL = N_NODES - NS * STRIPE

_OFF = np.linspace(0.0, CUTOFF, NG).astype(np.float32)
_COEFF = np.float32(-0.5) / (_OFF[1] - _OFF[0]) ** 2
_LN2 = np.float32(np.log(2.0))

def _ssp(v):
    return (jnp.maximum(v, np.float32(0.0))
            + jnp.log(np.float32(1.0) + jnp.exp(-jnp.abs(v))) - _LN2)


def _sc_mesh():
    return plsc.VectorSubcoreMesh(core_axis_name="c", subcore_axis_name="s",
                                  num_cores=NC, num_subcores=NS)


def _dpos_body(pos_hbm, row_hbm, col_hbm, out_hbm, idx_r, idx_c, pr, pc,
               sr0, sr1, sr2, sc0, sc1, sc2):
    SR = (sr0, sr1, sr2)
    SC = (sc0, sc1, sc2)
    c = lax.axis_index("c")
    s = lax.axis_index("s")
    w = s * NC + c

    def start(t, b):
        base = (w + t * NW) * CB
        pltpu.sync_copy(row_hbm.at[pl.ds(base, CB)], idx_r.at[b])
        pltpu.sync_copy(col_hbm.at[pl.ds(base, CB)], idx_c.at[b])
        pltpu.async_copy(pos_hbm.at[idx_r.at[b]], pr.at[b], SR[b])
        pltpu.async_copy(pos_hbm.at[idx_c.at[b]], pc.at[b], SC[b])

    def block(j, r):
        t = 3 * j + r
        base = (w + t * NW) * CB
        pltpu.make_async_copy(pos_hbm.at[idx_r.at[r]], pr.at[r], SR[r]).wait()
        pltpu.make_async_copy(pos_hbm.at[idx_c.at[r]], pc.at[r], SC[r]).wait()

        def rowfn(rr, cc):
            pr[r, rr, :] = pr[r, rr, :] - pc[r, rr, :]
            return cc

        lax.fori_loop(0, CB, rowfn, 0)
        pltpu.sync_copy(pr.at[r], out_hbm.at[pl.ds(base, CB)])
        return t

    start(0, 0)
    start(1, 1)

    def triple(j, carry):
        t = block(j, 0)
        start(t + 2, (0 + 2) % 3)
        t = block(j, 1)

        @pl.when(j < NPAIR - 1)
        def _():
            start(t + 2, (1 + 2) % 3)

        t = block(j, 2)

        @pl.when(j < NPAIR - 1)
        def _():
            start(t + 2, (2 + 2) % 3)

        return carry

    lax.fori_loop(0, NPAIR, triple, 0)

    @pl.when(w < NCHUNK - NKFULL * NW)
    def _():
        base = (NKFULL * NW + w) * CB
        pltpu.sync_copy(row_hbm.at[pl.ds(base, CB)], idx_r.at[0])
        pltpu.sync_copy(col_hbm.at[pl.ds(base, CB)], idx_c.at[0])
        pltpu.async_copy(pos_hbm.at[idx_r.at[0]], pr.at[0], SR[0]).wait()
        pltpu.async_copy(pos_hbm.at[idx_c.at[0]], pc.at[0], SC[0]).wait()

        def rowfn(rr, cc):
            pr[0, rr, :] = pr[0, rr, :] - pc[0, rr, :]
            return cc

        lax.fori_loop(0, CB, rowfn, 0)
        pltpu.sync_copy(pr.at[0], out_hbm.at[pl.ds(base, CB)])


@jax.jit
def _dpos_call(pos16, row, col):
    kfn = pl.kernel(
        _dpos_body,
        out_type=jax.ShapeDtypeStruct((N_EDGES, 16), jnp.float32),
        mesh=_sc_mesh(),
        compiler_params=pltpu.CompilerParams(use_tc_tiling_on_sc=False),
        scratch_types=[
            pltpu.VMEM((3, CB), jnp.int32),
            pltpu.VMEM((3, CB), jnp.int32),
            pltpu.VMEM((3, CB, 16), jnp.float32),
            pltpu.VMEM((3, CB, 16), jnp.float32),
        ] + [pltpu.SemaphoreType.DMA] * 6,
    )
    return kfn(pos16, row, col)


NKFULL = 156
NPAIR = NKFULL // 3


def _mp_body(xh_hbm, wf_hbm, row_hbm, col_hbm, zero_hbm, out_hbm,
             idx_r, idx_c, rows, wfv, agg_sh,
             sg0, sg1, sg2, sw0, sw1, sw2, ss0, ss1, ss2):
    SG = (sg0, sg1, sg2)
    SW = (sw0, sw1, sw2)
    SS = (ss0, ss1, ss2)
    c = lax.axis_index("c")
    s = lax.axis_index("s")
    w = s * NC + c
    zbase = s * STRIPE
    pltpu.sync_copy(zero_hbm.at[pl.ds(zbase, STRIPE)],
                    agg_sh.at[pl.ds(zbase, STRIPE)])

    @pl.when(s == NS - 1)
    def _():
        pltpu.sync_copy(zero_hbm.at[pl.ds(NS * STRIPE, TAIL)],
                        agg_sh.at[pl.ds(NS * STRIPE, TAIL)])

    plsc.subcore_barrier()

    def start(t, b):
        base = (w + t * NW) * CB
        pltpu.sync_copy(row_hbm.at[pl.ds(base, CB)], idx_r.at[b])
        pltpu.sync_copy(col_hbm.at[pl.ds(base, CB)], idx_c.at[b])
        pltpu.async_copy(xh_hbm.at[idx_r.at[b]], rows.at[b], SG[b])
        pltpu.async_copy(wf_hbm.at[pl.ds(base, CB)], wfv.at[b], SW[b])

    def drain_scatter(b):
        pltpu.make_async_copy(rows.at[b], agg_sh.at[idx_c.at[b]], SS[b]).wait()

    def mul(b):
        def rowfn(r, cc):
            for j in range(HID // 16):
                sl = pl.ds(j * 16, 16)
                rows[b, r, sl] = rows[b, r, sl] * wfv[b, r, sl]
            return cc

        lax.fori_loop(0, CB, rowfn, 0)

    start(0, 0)
    start(1, 1)

    def block(j, r):
        t = 3 * j + r
        b2 = (r + 2) % 3
        pltpu.make_async_copy(xh_hbm.at[idx_r.at[r]], rows.at[r], SG[r]).wait()
        pltpu.make_async_copy(wf_hbm.at[pl.ds(0, CB)], wfv.at[r], SW[r]).wait()
        mul(r)
        pltpu.async_copy(rows.at[r], agg_sh.at[idx_c.at[r]], SS[r], add=True)
        return t, b2

    def pair(j, carry):
        t, b2 = block(j, 0)

        @pl.when(j >= 1)
        def _():
            drain_scatter(b2)

        start(t + 2, b2)

        t, b2 = block(j, 1)

        @pl.when(j < NPAIR - 1)
        def _():
            drain_scatter(b2)
            start(t + 2, b2)

        t, b2 = block(j, 2)

        @pl.when(j < NPAIR - 1)
        def _():
            drain_scatter(b2)
            start(t + 2, b2)

        return carry

    lax.fori_loop(0, NPAIR, pair, 0)
    drain_scatter(0)
    drain_scatter(1)
    drain_scatter(2)

    @pl.when(w < NCHUNK - NKFULL * NW)
    def _():
        base = (NKFULL * NW + w) * CB
        pltpu.sync_copy(row_hbm.at[pl.ds(base, CB)], idx_r.at[0])
        pltpu.sync_copy(col_hbm.at[pl.ds(base, CB)], idx_c.at[0])
        pltpu.async_copy(xh_hbm.at[idx_r.at[0]], rows.at[0], SG[0]).wait()
        pltpu.sync_copy(wf_hbm.at[pl.ds(base, CB)], wfv.at[0])
        mul(0)
        pltpu.sync_copy(rows.at[0], agg_sh.at[idx_c.at[0]], add=True)

    plsc.subcore_barrier()
    obase = c * N_NODES + s * STRIPE
    pltpu.sync_copy(agg_sh.at[pl.ds(s * STRIPE, STRIPE)],
                    out_hbm.at[pl.ds(obase, STRIPE)])

    @pl.when(s == NS - 1)
    def _():
        pltpu.sync_copy(agg_sh.at[pl.ds(NS * STRIPE, TAIL)],
                        out_hbm.at[pl.ds(c * N_NODES + NS * STRIPE, TAIL)])


@jax.jit
def _mp_call(xh, wf_l, row, col, zero):
    kfn = pl.kernel(
        _mp_body,
        out_type=jax.ShapeDtypeStruct((2 * N_NODES, HID), jnp.float32),
        mesh=_sc_mesh(),
        scratch_types=[
            pltpu.VMEM((3, CB), jnp.int32),
            pltpu.VMEM((3, CB), jnp.int32),
            pltpu.VMEM((3, CB, HID), jnp.float32),
            pltpu.VMEM((3, CB, HID), jnp.float32),
            pltpu.VMEM_SHARED((N_NODES, HID), jnp.float32),
        ] + [pltpu.SemaphoreType.DMA] * 9,
    )
    return kfn(xh, wf_l, row, col, zero)


BE = 512


def _ea_body(dpos_ref, ea_ref, cutc_ref):
    dp = dpos_ref[...]
    d2 = jnp.sum(dp * dp, axis=1)
    wgt = jnp.sqrt(d2 + np.float32(1e-12))
    xx = wgt * np.float32(np.pi / CUTOFF)
    k = jnp.floor(xx * np.float32(1.0 / np.pi) + np.float32(0.5))
    r = xx - k * np.float32(np.pi)
    r2 = r * r
    cpoly = np.float32(-2.605210867e-07)
    for coef in (2.479886187e-05, -1.388829677e-03, 4.166645418e-02,
                 -4.999999389e-01, 9.999999724e-01):
        cpoly = cpoly * r2 + np.float32(coef)
    kodd = k - np.float32(2.0) * jnp.floor(k * np.float32(0.5))
    sgn = np.float32(1.0) - np.float32(2.0) * kodd
    cutc_ref[...] = (np.float32(0.5) * (sgn * cpoly + np.float32(1.0)))[:, None]
    off = (lax.broadcasted_iota(jnp.int32, (1, NG), 1).astype(jnp.float32)
           * np.float32(CUTOFF / (NG - 1)))
    diff = wgt[:, None] - off
    ea_ref[...] = jnp.exp(_COEFF * diff * diff)


@jax.jit
def _ea_call(dpos):
    grid = (N_EDGES // BE,)
    return pl.pallas_call(
        _ea_body,
        grid=grid,
        in_specs=[pl.BlockSpec((BE, 16), lambda i: (i, 0))],
        out_specs=[
            pl.BlockSpec((BE, NG), lambda i: (i, 0)),
            pl.BlockSpec((BE, 1), lambda i: (i, 0)),
        ],
        out_shape=[
            jax.ShapeDtypeStruct((N_EDGES, NG), jnp.float32),
            jax.ShapeDtypeStruct((N_EDGES, 1), jnp.float32),
        ],
    )(dpos)


def _wf1_body(l, ea_ref, cutc_ref, w1_ref, b1_ref, w2_ref, b2_ref, out_ref):
    ea = ea_ref[...]
    t = jnp.dot(ea, w1_ref[l], preferred_element_type=jnp.float32) + b1_ref[l]
    t = _ssp(t)
    wf = jnp.dot(t, w2_ref[l], preferred_element_type=jnp.float32) + b2_ref[l]
    out_ref[...] = wf * cutc_ref[...]


@functools.partial(jax.jit, static_argnums=(0,))
def _wf1_call(l, ea, cutc, mlp_W1, mlp_b1, mlp_W2, mlp_b2):
    grid = (N_EDGES // BE,)
    return pl.pallas_call(
        functools.partial(_wf1_body, l),
        grid=grid,
        in_specs=[
            pl.BlockSpec((BE, NG), lambda i: (i, 0)),
            pl.BlockSpec((BE, 1), lambda i: (i, 0)),
            pl.BlockSpec((NL, NG, HID), lambda i: (0, 0, 0)),
            pl.BlockSpec((NL, HID), lambda i: (0, 0)),
            pl.BlockSpec((NL, HID, HID), lambda i: (0, 0, 0)),
            pl.BlockSpec((NL, HID), lambda i: (0, 0)),
        ],
        out_specs=pl.BlockSpec((BE, HID), lambda i: (i, 0)),
        out_shape=jax.ShapeDtypeStruct((N_EDGES, HID), jnp.float32),
    )(ea, cutc, mlp_W1, mlp_b1, mlp_W2, mlp_b2)


BN = 1000


def _pre_body(x_ref, ew_ref, eb_ref, cf1_ref, h_ref, xh_ref):
    h0 = jnp.dot(x_ref[...], ew_ref[...], preferred_element_type=jnp.float32) + eb_ref[...]
    h_ref[...] = h0
    xh_ref[...] = jnp.dot(h0, cf1_ref[0], preferred_element_type=jnp.float32)


@jax.jit
def _pre_call(x, emb_W, emb_b2d, cf_lin1_W):
    grid = (N_NODES // BN,)
    return pl.pallas_call(
        _pre_body,
        grid=grid,
        in_specs=[
            pl.BlockSpec((BN, N_ATOMS), lambda i: (i, 0)),
            pl.BlockSpec((N_ATOMS, HID), lambda i: (0, 0)),
            pl.BlockSpec((1, HID), lambda i: (0, 0)),
            pl.BlockSpec((NL, HID, HID), lambda i: (0, 0, 0)),
        ],
        out_specs=[
            pl.BlockSpec((BN, HID), lambda i: (i, 0)),
            pl.BlockSpec((BN, HID), lambda i: (i, 0)),
        ],
        out_shape=[
            jax.ShapeDtypeStruct((N_NODES, HID), jnp.float32),
            jax.ShapeDtypeStruct((N_NODES, HID), jnp.float32),
        ],
    )(x, emb_W, emb_b2d, cf_lin1_W)


def _layer_body(l, a0_ref, a1_ref, h_ref, cf2w_ref, cf2b_ref, intw_ref, intb_ref,
                cf1_ref, hout_ref, xhout_ref):
    agg = a0_ref[...] + a1_ref[...]
    t = jnp.dot(agg, cf2w_ref[l], preferred_element_type=jnp.float32) + cf2b_ref[l]
    t = _ssp(t)
    t = jnp.dot(t, intw_ref[l], preferred_element_type=jnp.float32) + intb_ref[l]
    hn = h_ref[...] + t
    hout_ref[...] = hn
    xhout_ref[...] = jnp.dot(hn, cf1_ref[(l + 1) % NL], preferred_element_type=jnp.float32)


@functools.partial(jax.jit, static_argnums=(0,))
def _layer_call(l, agg2, h, cf_lin2_W, cf_lin2_b, int_lin_W, int_lin_b, cf_lin1_W):
    grid = (N_NODES // BN,)
    nb = N_NODES // BN
    return pl.pallas_call(
        functools.partial(_layer_body, l),
        grid=grid,
        in_specs=[
            pl.BlockSpec((BN, HID), lambda i: (i, 0)),
            pl.BlockSpec((BN, HID), lambda i, _nb=nb: (i + _nb, 0)),
            pl.BlockSpec((BN, HID), lambda i: (i, 0)),
            pl.BlockSpec((NL, HID, HID), lambda i: (0, 0, 0)),
            pl.BlockSpec((NL, HID), lambda i: (0, 0)),
            pl.BlockSpec((NL, HID, HID), lambda i: (0, 0, 0)),
            pl.BlockSpec((NL, HID), lambda i: (0, 0)),
            pl.BlockSpec((NL, HID, HID), lambda i: (0, 0, 0)),
        ],
        out_specs=[
            pl.BlockSpec((BN, HID), lambda i: (i, 0)),
            pl.BlockSpec((BN, HID), lambda i: (i, 0)),
        ],
        out_shape=[
            jax.ShapeDtypeStruct((N_NODES, HID), jnp.float32),
            jax.ShapeDtypeStruct((N_NODES, HID), jnp.float32),
        ],
    )(agg2, agg2, h, cf_lin2_W, cf_lin2_b, int_lin_W, int_lin_b, cf_lin1_W)


def _head_body(h_ref, l1w_ref, l1b_ref, l2w_ref, l2b_ref, ge_ref, out_ref, acc_ref):
    i = pl.program_id(0)
    hf = jnp.maximum(
        jnp.dot(h_ref[...], l1w_ref[...], preferred_element_type=jnp.float32)
        + l1b_ref[...], np.float32(0.0))
    part = jnp.sum(hf, axis=0, keepdims=True)

    @pl.when(i == 0)
    def _():
        acc_ref[...] = part

    @pl.when(i > 0)
    def _():
        acc_ref[...] = acc_ref[...] + part

    @pl.when(i == (N_NODES // BN) - 1)
    def _():
        ge = acc_ref[...] / np.float32(N_NODES)
        ge_ref[...] = ge
        h2 = jnp.maximum(
            jnp.dot(ge, l1w_ref[...], preferred_element_type=jnp.float32)
            + l1b_ref[...], np.float32(0.0))
        out_ref[...] = (jnp.dot(h2, l2w_ref[...], preferred_element_type=jnp.float32)
                        + l2b_ref[...])


@jax.jit
def _head_call(h, lin1_W, lin1_b2d, lin2_W, lin2_b2d):
    grid = (N_NODES // BN,)
    return pl.pallas_call(
        _head_body,
        grid=grid,
        in_specs=[
            pl.BlockSpec((BN, HID), lambda i: (i, 0)),
            pl.BlockSpec((HID, HID), lambda i: (0, 0)),
            pl.BlockSpec((1, HID), lambda i: (0, 0)),
            pl.BlockSpec((HID, N_CLASSES), lambda i: (0, 0)),
            pl.BlockSpec((1, N_CLASSES), lambda i: (0, 0)),
        ],
        out_specs=[
            pl.BlockSpec((1, HID), lambda i: (0, 0)),
            pl.BlockSpec((1, N_CLASSES), lambda i: (0, 0)),
        ],
        out_shape=[
            jax.ShapeDtypeStruct((1, HID), jnp.float32),
            jax.ShapeDtypeStruct((1, N_CLASSES), jnp.float32),
        ],
        scratch_shapes=[pltpu.VMEM((1, HID), jnp.float32)],
    )(h, lin1_W, lin1_b2d, lin2_W, lin2_b2d)


def kernel(x, pos, edge_index, batch, emb_W, emb_b, mlp_W1, mlp_b1, mlp_W2, mlp_b2,
           cf_lin1_W, cf_lin2_W, cf_lin2_b, int_lin_W, int_lin_b,
           lin1_W, lin1_b, lin2_W, lin2_b):
    row = edge_index[0].astype(jnp.int32)
    col = edge_index[1].astype(jnp.int32)
    pos16 = jnp.zeros((N_NODES, 16), jnp.float32).at[:, :3].set(pos)

    dpos = _dpos_call(pos16, row, col)
    ea, cutc = _ea_call(dpos)
    wfs = [_wf1_call(l, ea, cutc, mlp_W1, mlp_b1, mlp_W2, mlp_b2)
           for l in range(NL)]
    h, xh = _pre_call(x, emb_W, emb_b.reshape(1, HID), cf_lin1_W)

    zero = jnp.zeros((N_NODES, HID), jnp.float32)
    for l in range(NL):
        agg2 = _mp_call(xh, wfs[l], row, col, zero)
        h, xh = _layer_call(l, agg2, h, cf_lin2_W, cf_lin2_b, int_lin_W,
                            int_lin_b, cf_lin1_W)

    ge, out = _head_call(h, lin1_W, lin1_b.reshape(1, HID), lin2_W,
                         lin2_b.reshape(1, N_CLASSES))
    return (ge, out)

# --- scband reference (transcript-rebuilt; emitter-appended) ---
"""Pipeline reference for scband-sch-net-52991306498535 (READ-ONLY COPY).

The authoritative reference and input builder live on the scoring server;
editing this copy changes nothing except your own understanding.
"""

import jax, jax.numpy as jnp
import numpy as np

N = 10000
E = 320000
NUM_ATOMS = 21
NUM_CLASSES = 97
HIDDEN = 128
NUM_FILTERS = 128
NUM_LAYERS = 6
NUM_GAUSSIANS = 50
CUTOFF = 10.0
OUT_DIM = 128


def _ssp(v):
    # ShiftedSoftplus
    return jax.nn.softplus(v) - jnp.log(2.0)


def setup_inputs(seed: int = 0) -> dict:
    key = jax.random.key(seed)
    ks = jax.random.split(key, 24)

    def p(k, shape, fan_in):
        return (jax.random.normal(k, shape, dtype=jnp.float32) / np.sqrt(fan_in)).astype(jnp.float32)

    x = jax.random.normal(ks[0], (N, NUM_ATOMS), dtype=jnp.float32)
    pos = jax.random.normal(ks[1], (N, 3), dtype=jnp.float32)
    edge_index = jax.random.randint(ks[2], (2, E), 0, N, dtype=jnp.int64 if jax.config.jax_enable_x64 else jnp.int32)
    batch = jnp.zeros((N,), dtype=jnp.int32)

    inp = {
        'x': x,
        'pos': pos,
        'edge_index': edge_index,
        'batch': batch,
        'emb_W': p(ks[3], (NUM_ATOMS, HIDDEN), NUM_ATOMS),
        'emb_b': jnp.zeros((HIDDEN,), jnp.float32),
        'mlp_W1': p(ks[4], (NUM_LAYERS, NUM_GAUSSIANS, NUM_FILTERS), NUM_GAUSSIANS),
        'mlp_b1': jnp.zeros((NUM_LAYERS, NUM_FILTERS), jnp.float32),
        'mlp_W2': p(ks[5], (NUM_LAYERS, NUM_FILTERS, NUM_FILTERS), NUM_FILTERS),
        'mlp_b2': jnp.zeros((NUM_LAYERS, NUM_FILTERS), jnp.float32),
        'cf_lin1_W': p(ks[6], (NUM_LAYERS, HIDDEN, NUM_FILTERS), HIDDEN),
        'cf_lin2_W': p(ks[7], (NUM_LAYERS, NUM_FILTERS, HIDDEN), NUM_FILTERS),
        'cf_lin2_b': jnp.zeros((NUM_LAYERS, HIDDEN), jnp.float32),
        'int_lin_W': p(ks[8], (NUM_LAYERS, HIDDEN, HIDDEN), HIDDEN),
        'int_lin_b': jnp.zeros((NUM_LAYERS, HIDDEN), jnp.float32),
        'lin1_W': p(ks[9], (HIDDEN, OUT_DIM), HIDDEN),
        'lin1_b': jnp.zeros((OUT_DIM,), jnp.float32),
        'lin2_W': p(ks[10], (OUT_DIM, NUM_CLASSES), OUT_DIM),
        'lin2_b': jnp.zeros((NUM_CLASSES,), jnp.float32),
    }
    return inp


def reference(x, pos, edge_index, batch, emb_W, emb_b, mlp_W1, mlp_b1, mlp_W2, mlp_b2,
              cf_lin1_W, cf_lin2_W, cf_lin2_b, int_lin_W, int_lin_b,
              lin1_W, lin1_b, lin2_W, lin2_b):
    # GaussianSmearing buffers
    offset = jnp.linspace(0.0, CUTOFF, NUM_GAUSSIANS)
    coeff = -0.5 / (offset[1] - offset[0]) ** 2

    h = x @ emb_W + emb_b
    row = edge_index[0]
    col = edge_index[1]
    d = pos[row] - pos[col]
    edge_weight = jnp.sqrt(jnp.sum(d * d, axis=-1) + 1e-12)
    edge_attr = jnp.exp(coeff * (edge_weight[:, None] - offset[None, :]) ** 2)

    C = 0.5 * (jnp.cos(edge_weight * jnp.pi / CUTOFF) + 1.0)

    for l in range(NUM_LAYERS):
        # CFConv filter network
        Wf = _ssp(edge_attr @ mlp_W1[l] + mlp_b1[l]) @ mlp_W2[l] + mlp_b2[l]
        Wf = Wf * C[:, None]
        xh = h @ cf_lin1_W[l]               # lin1 (no bias)
        msg = xh[row] * Wf                  # gather (x_j) and modulate
        agg = jax.ops.segment_sum(msg, col, num_segments=N)  # scatter-add aggr
        xh = agg @ cf_lin2_W[l] + cf_lin2_b[l]
        xh = _ssp(xh)                       # InteractionBlock act
        xh = xh @ int_lin_W[l] + int_lin_b[l]
        h = h + xh                          # residual

    h = h @ lin1_W + lin1_b
    h = jax.nn.relu(h)

    # global_mean_pool over batch (single graph)
    counts = jax.ops.segment_sum(jnp.ones((N,), jnp.float32), batch, num_segments=1)
    graph_emb = jax.ops.segment_sum(h, batch, num_segments=1) / counts[:, None]

    h2 = graph_emb @ lin1_W + lin1_b
    h2 = jax.nn.relu(h2)                    # dropout in eval mode = identity
    out = h2 @ lin2_W + lin2_b
    return (graph_emb, out)

if __name__ == "__main__":
    import jax
    _d = setup_inputs()
    print(jax.jit(kernel)(*tuple(_d.values())))

</pallas_src>

<mosaic_0001>
#map = affine_map<(d0, d1) -> (0, 0)>
#map1 = affine_map<(d0, d1) -> (0)>
module attributes {stable_mosaic.version = 14 : i64} {
  func.func @_dpos_body(%arg0: i32, %arg1: i32, %arg2: memref<10000x16xf32, #tpu.memory_space<hbm>>, %arg3: memref<320000xi32, #tpu.memory_space<hbm>>, %arg4: memref<320000xi32, #tpu.memory_space<hbm>>, %arg5: memref<320000x16xf32, #tpu.memory_space<hbm>>, %arg6: memref<3x64xi32, #tpu.memory_space<vmem>>, %arg7: memref<3x64xi32, #tpu.memory_space<vmem>>, %arg8: memref<3x64x16xf32, #tpu.memory_space<vmem>>, %arg9: memref<3x64x16xf32, #tpu.memory_space<vmem>>, %arg10: memref<!tpu.dma_semaphore, #tpu.memory_space<semaphore_mem>>, %arg11: memref<!tpu.dma_semaphore, #tpu.memory_space<semaphore_mem>>, %arg12: memref<!tpu.dma_semaphore, #tpu.memory_space<semaphore_mem>>, %arg13: memref<!tpu.dma_semaphore, #tpu.memory_space<semaphore_mem>>, %arg14: memref<!tpu.dma_semaphore, #tpu.memory_space<semaphore_mem>>, %arg15: memref<!tpu.dma_semaphore, #tpu.memory_space<semaphore_mem>>) attributes {dimension_semantics = [#tpu.dimension_semantics<core_parallel>, #tpu.dimension_semantics<subcore_parallel>], iteration_bounds = array<i64: 2, 16>, scalar_prefetch = 0 : i64, scratch_operands = 10 : i64, tpu.core_type = #tpu.core_type<sc_vector_subcore>, window_params = [{transform_indices = #map}, {transform_indices = #map1}, {transform_indices = #map1}, {transform_indices = #map}]} {
    %mul3A = arith.constant 2 : i32
    %mul3A_0 = arith.muli %arg1, %mul3A : i32
    %add3A = arith.addi %mul3A_0, %arg0 : i32
    %add3A_1 = arith.constant 0 : i32
    %add3A_2 = arith.addi %add3A, %add3A_1 : i32
    %mul3A_3 = arith.constant 64 : i32
    %mul3A_4 = arith.muli %add3A_2, %mul3A_3 : i32
    %run_scoped3A = arith.constant 0 : i32
    "tpu.region"() ({
      %run_scoped3A_66 = tpu.sem_alloc : memref<!tpu.dma_semaphore, #tpu.memory_space<semaphore_mem>>
      %dma_start3A_67 = arith.constant 0 : i32
      %dma_start3A_68 = tpu.memref_slice %arg6[%run_scoped3A, %dma_start3A_67] : memref<3x64xi32, #tpu.memory_space<vmem>> -> memref<1x64xi32, #tpu.memory_space<vmem>>
      %dma_start3A_69 = tpu.memref_squeeze %dma_start3A_68 : memref<1x64xi32, #tpu.memory_space<vmem>> -> memref<64xi32, #tpu.memory_space<vmem>>
      %dma_start3A_70 = tpu.memref_slice %arg3[%mul3A_4] : memref<320000xi32, #tpu.memory_space<hbm>> -> memref<64xi32, #tpu.memory_space<hbm>>
      %dma_start3A_71 = arith.constant 0 : i32
      %dma_start3A_72 = tpu.memref_slice %arg6[%run_scoped3A, %dma_start3A_71] : memref<3x64xi32, #tpu.memory_space<vmem>> -> memref<1x64xi32, #tpu.memory_space<vmem>>
      %dma_start3A_73 = tpu.memref_squeeze %dma_start3A_72 : memref<1x64xi32, #tpu.memory_space<vmem>> -> memref<64xi32, #tpu.memory_space<vmem>>
      %dma_start3A_74 = tpu.memref_slice %arg3[%mul3A_4] : memref<320000xi32, #tpu.memory_space<hbm>> -> memref<64xi32, #tpu.memory_space<hbm>>
      tpu.enqueue_dma source(%dma_start3A_74 : memref<64xi32, #tpu.memory_space<hbm>>) target(%dma_start3A_73 : memref<64xi32, #tpu.memory_space<vmem>>) target_semaphore(%run_scoped3A_66 : memref<!tpu.dma_semaphore, #tpu.memory_space<semaphore_mem>>)
      %dma_wait3A = arith.constant 0 : i32
      %dma_wait3A_75 = tpu.memref_slice %arg6[%run_scoped3A, %dma_wait3A] : memref<3x64xi32, #tpu.memory_space<vmem>> -> memref<1x64xi32, #tpu.memory_space<vmem>>
      %dma_wait3A_76 = tpu.memref_squeeze %dma_wait3A_75 : memref<1x64xi32, #tpu.memory_space<vmem>> -> memref<64xi32, #tpu.memory_space<vmem>>
      %dma_wait3A_77 = tpu.memref_slice %arg3[%mul3A_4] : memref<320000xi32, #tpu.memory_space<hbm>> -> memref<64xi32, #tpu.memory_space<hbm>>
      %dma_wait3A_78 = arith.constant 0 : i32
      %dma_wait3A_79 = tpu.memref_slice %arg6[%run_scoped3A, %dma_wait3A_78] : memref<3x64xi32, #tpu.memory_space<vmem>> -> memref<1x64xi32, #tpu.memory_space<vmem>>
      %dma_wait3A_80 = tpu.memref_squeeze %dma_wait3A_79 : memref<1x64xi32, #tpu.memory_space<vmem>> -> memref<64xi32, #tpu.memory_space<vmem>>
      %dma_wait3A_81 = tpu.memref_slice %arg3[%mul3A_4] : memref<320000xi32, #tpu.memory_space<hbm>> -> memref<64xi32, #tpu.memory_space<hbm>>
      tpu.wait_dma2 semaphore(%run_scoped3A_66 : memref<!tpu.dma_semaphore, #tpu.memory_space<semaphore_mem>>) src(%dma_wait3A_81 : memref<64xi32, #tpu.memory_space<hbm>>) dst(%dma_wait3A_80 : memref<64xi32, #tpu.memory_space<vmem>>)
      tpu.yield
    }) : () -> ()
    %run_scoped3A_5 = arith.constant 0 : i32
    "tpu.region"() ({
      %run_scoped3A_66 = tpu.sem_alloc : memref<!tpu.dma_semaphore, #tpu.memory_space<semaphore_mem>>
      %dma_start3A_67 = arith.constant 0 : i32
      %dma_start3A_68 = tpu.memref_slice %arg7[%run_scoped3A_5, %dma_start3A_67] : memref<3x64xi32, #tpu.memory_space<vmem>> -> memref<1x64xi32, #tpu.memory_space<vmem>>
      %dma_start3A_69 = tpu.memref_squeeze %dma_start3A_68 : memref<1x64xi32, #tpu.memory_space<vmem>> -> memref<64xi32, #tpu.memory_space<vmem>>
      %dma_start3A_70 = tpu.memref_slice %arg4[%mul3A_4] : memref<320000xi32, #tpu.memory_space<hbm>> -> memref<64xi32, #tpu.memory_space<hbm>>
      %dma_start3A_71 = arith.constant 0 : i32
      %dma_start3A_72 = tpu.memref_slice %arg7[%run_scoped3A_5, %dma_start3A_71] : memref<3x64xi32, #tpu.memory_space<vmem>> -> memref<1x64xi32, #tpu.memory_space<vmem>>
      %dma_start3A_73 = tpu.memref_squeeze %dma_start3A_72 : memref<1x64xi32, #tpu.memory_space<vmem>> -> memref<64xi32, #tpu.memory_space<vmem>>
      %dma_start3A_74 = tpu.memref_slice %arg4[%mul3A_4] : memref<320000xi32, #tpu.memory_space<hbm>> -> memref<64xi32, #tpu.memory_space<hbm>>
      tpu.enqueue_dma source(%dma_start3A_74 : memref<64xi32, #tpu.memory_space<hbm>>) target(%dma_start3A_73 : memref<64xi32, #tpu.memory_space<vmem>>) target_semaphore(%run_scoped3A_66 : memref<!tpu.dma_semaphore, #tpu.memory_space<semaphore_mem>>)
      %dma_wait3A = arith.constant 0 : i32
      %dma_wait3A_75 = tpu.memref_slice %arg7[%run_scoped3A_5, %dma_wait3A] : memref<3x64xi32, #tpu.memory_space<vmem>> -> memref<1x64xi32, #tpu.memory_space<vmem>>
      %dma_wait3A_76 = tpu.memref_squeeze %dma_wait3A_75 : memref<1x64xi32, #tpu.memory_space<vmem>> -> memref<64xi32, #tpu.memory_space<vmem>>
      %dma_wait3A_77 = tpu.memref_slice %arg4[%mul3A_4] : memref<320000xi32, #tpu.memory_space<hbm>> -> memref<64xi32, #tpu.memory_space<hbm>>
      %dma_wait3A_78 = arith.constant 0 : i32
      %dma_wait3A_79 = tpu.memref_slice %arg7[%run_scoped3A_5, %dma_wait3A_78] : memref<3x64xi32, #tpu.memory_space<vmem>> -> memref<1x64xi32, #tpu.memory_space<vmem>>
      %dma_wait3A_80 = tpu.memref_squeeze %dma_wait3A_79 : memref<1x64xi32, #tpu.memory_space<vmem>> -> memref<64xi32, #tpu.memory_space<vmem>>
      %dma_wait3A_81 = tpu.memref_slice %arg4[%mul3A_4] : memref<320000xi32, #tpu.memory_space<hbm>> -> memref<64xi32, #tpu.memory_space<hbm>>
      tpu.wait_dma2 semaphore(%run_scoped3A_66 : memref<!tpu.dma_semaphore, #tpu.memory_space<semaphore_mem>>) src(%dma_wait3A_81 : memref<64xi32, #tpu.memory_space<hbm>>) dst(%dma_wait3A_80 : memref<64xi32, #tpu.memory_space<vmem>>)
      tpu.yield
    }) : () -> ()
    %dma_start3A = arith.constant 0 : i32
    %dma_start3A_6 = arith.constant 0 : i32
    %dma_start3A_7 = arith.constant 0 : i32
    %dma_start3A_8 = arith.constant 0 : i32
    %dma_start3A_9 = tpu.memref_slice %arg8[%dma_start3A_6, %dma_start3A_7, %dma_start3A_8] : memref<3x64x16xf32, #tpu.memory_space<vmem>> -> memref<1x64x16xf32, #tpu.memory_space<vmem>>
    %dma_start3A_10 = tpu.memref_squeeze %dma_start3A_9 : memref<1x64x16xf32, #tpu.memory_space<vmem>> -> memref<64x16xf32, #tpu.memory_space<vmem>>
    %dma_start3A_11 = arith.constant 0 : i32
    %dma_start3A_12 = tpu.memref_slice %arg6[%dma_start3A, %dma_start3A_11] : memref<3x64xi32, #tpu.memory_space<vmem>> -> memref<1x64xi32, #tpu.memory_space<vmem>>
    %dma_start3A_13 = tpu.memref_squeeze %dma_start3A_12 : memref<1x64xi32, #tpu.memory_space<vmem>> -> memref<64xi32, #tpu.memory_space<vmem>>
    %dma_start3A_14 = arith.constant 0 : i32
    %dma_start3A_15 = arith.constant 0 : i32
    %dma_start3A_16 = tpu.memref_slice %arg2[%dma_start3A_14, %dma_start3A_15] : memref<10000x16xf32, #tpu.memory_space<hbm>> -> memref<10000x16xf32, #tpu.memory_space<hbm>>
    tpu.enqueue_indirect_dma source(%dma_start3A_16 : memref<10000x16xf32, #tpu.memory_space<hbm>>) target(%dma_start3A_10 : memref<64x16xf32, #tpu.memory_space<vmem>>) offsets(%dma_start3A_13 : memref<64xi32, #tpu.memory_space<vmem>>) semaphore(%arg10 : memref<!tpu.dma_semaphore, #tpu.memory_space<semaphore_mem>>)
    %dma_start3A_17 = arith.constant 0 : i32
    %dma_start3A_18 = arith.constant 0 : i32
    %dma_start3A_19 = arith.constant 0 : i32
    %dma_start3A_20 = arith.constant 0 : i32
    %dma_start3A_21 = tpu.memref_slice %arg9[%dma_start3A_18, %dma_start3A_19, %dma_start3A_20] : memref<3x64x16xf32, #tpu.memory_space<vmem>> -> memref<1x64x16xf32, #tpu.memory_space<vmem>>
    %dma_start3A_22 = tpu.memref_squeeze %dma_start3A_21 : memref<1x64x16xf32, #tpu.memory_space<vmem>> -> memref<64x16xf32, #tpu.memory_space<vmem>>
    %dma_start3A_23 = arith.constant 0 : i32
    %dma_start3A_24 = tpu.memref_slice %arg7[%dma_start3A_17, %dma_start3A_23] : memref<3x64xi32, #tpu.memory_space<vmem>> -> memref<1x64xi32, #tpu.memory_space<vmem>>
    %dma_start3A_25 = tpu.memref_squeeze %dma_start3A_24 : memref<1x64xi32, #tpu.memory_space<vmem>> -> memref<64xi32, #tpu.memory_space<vmem>>
    %dma_start3A_26 = arith.constant 0 : i32
    %dma_start3A_27 = arith.constant 0 : i32
    %dma_start3A_28 = tpu.memref_slice %arg2[%dma_start3A_26, %dma_start3A_27] : memref<10000x16xf32, #tpu.memory_space<hbm>> -> memref<10000x16xf32, #tpu.memory_space<hbm>>
    tpu.enqueue_indirect_dma source(%dma_start3A_28 : memref<10000x16xf32, #tpu.memory_space<hbm>>) target(%dma_start3A_22 : memref<64x16xf32, #tpu.memory_space<vmem>>) offsets(%dma_start3A_25 : memref<64xi32, #tpu.memory_space<vmem>>) semaphore(%arg13 : memref<!tpu.dma_semaphore, #tpu.memory_space<semaphore_mem>>)
    %add3A_29 = arith.constant 32 : i32
    %add3A_30 = arith.addi %add3A, %add3A_29 : i32
    %mul3A_31 = arith.constant 64 : i32
    %mul3A_32 = arith.muli %add3A_30, %mul3A_31 : i32
    %run_scoped3A_33 = arith.constant 1 : i32
    "tpu.region"() ({
      %run_scoped3A_66 = tpu.sem_alloc : memref<!tpu.dma_semaphore, #tpu.memory_space<semaphore_mem>>
      %dma_start3A_67 = arith.constant 0 : i32
      %dma_start3A_68 = tpu.memref_slice %arg6[%run_scoped3A_33, %dma_start3A_67] : memref<3x64xi32, #tpu.memory_space<vmem>> -> memref<1x64xi32, #tpu.memory_space<vmem>>
      %dma_start3A_69 = tpu.memref_squeeze %dma_start3A_68 : memref<1x64xi32, #tpu.memory_space<vmem>> -> memref<64xi32, #tpu.memory_space<vmem>>
      %dma_start3A_70 = tpu.memref_slice %arg3[%mul3A_32] : memref<320000xi32, #tpu.memory_space<hbm>> -> memref<64xi32, #tpu.memory_space<hbm>>
      %dma_start3A_71 = arith.constant 0 : i32
      %dma_start3A_72 = tpu.memref_slice %arg6[%run_scoped3A_33, %dma_start3A_71] : memref<3x64xi32, #tpu.memory_space<vmem>> -> memref<1x64xi32, #tpu.memory_space<vmem>>
      %dma_start3A_73 = tpu.memref_squeeze %dma_start3A_72 : memref<1x64xi32, #tpu.memory_space<vmem>> -> memref<64xi32, #tpu.memory_space<vmem>>
      %dma_start3A_74 = tpu.memref_slice %arg3[%mul3A_32] : memref<320000xi32, #tpu.memory_space<hbm>> -> memref<64xi32, #tpu.memory_space<hbm>>
      tpu.enqueue_dma source(%dma_start3A_74 : memref<64xi32, #tpu.memory_space<hbm>>) target(%dma_start3A_73 : memref<64xi32, #tpu.memory_space<vmem>>) target_semaphore(%run_scoped3A_66 : memref<!tpu.dma_semaphore, #tpu.memory_space<semaphore_mem>>)
      %dma_wait3A = arith.constant 0 : i32
      %dma_wait3A_75 = tpu.memref_slice %arg6[%run_scoped3A_33, %dma_wait3A] : memref<3x64xi32, #tpu.memory_space<vmem>> -> memref<1x64xi32, #tpu.memory_space<vmem>>
      %dma_wait3A_76 = tpu.memref_squeeze %dma_wait3A_75 : memref<1x64xi32, #tpu.memory_space<vmem>> -> memref<64xi32, #tpu.memory_space<vmem>>
      %dma_wait3A_77 = tpu.memref_slice %arg3[%mul3A_32] : memref<320000xi32, #tpu.memory_space<hbm>> -> memref<64xi32, #tpu.memory_space<hbm>>
      %dma_wait3A_78 = arith.constant 0 : i32
      %dma_wait3A_79 = tpu.memref_slice %arg6[%run_scoped3A_33, %dma_wait3A_78] : memref<3x64xi32, #tpu.memory_space<vmem>> -> memref<1x64xi32, #tpu.memory_space<vmem>>
      %dma_wait3A_80 = tpu.memref_squeeze %dma_wait3A_79 : memref<1x64xi32, #tpu.memory_space<vmem>> -> memref<64xi32, #tpu.memory_space<vmem>>
      %dma_wait3A_81 = tpu.memref_slice %arg3[%mul3A_32] : memref<320000xi32, #tpu.memory_space<hbm>> -> memref<64xi32, #tpu.memory_space<hbm>>
      tpu.wait_dma2 semaphore(%run_scoped3A_66 : memref<!tpu.dma_semaphore, #tpu.memory_space<semaphore_mem>>) src(%dma_wait3A_81 : memref<64xi32, #tpu.memory_space<hbm>>) dst(%dma_wait3A_80 : memref<64xi32, #tpu.memory_space<vmem>>)
      tpu.yield
    }) : () -> ()
    %run_scoped3A_34 = arith.constant 1 : i32
    "tpu.region"() ({
      %run_scoped3A_66 = tpu.sem_alloc : memref<!tpu.dma_semaphore, #tpu.memory_space<semaphore_mem>>
      %dma_start3A_67 = arith.constant 0 : i32
      %dma_start3A_68 = tpu.memref_slice %arg7[%run_scoped3A_34, %dma_start3A_67] : memref<3x64xi32, #tpu.memory_space<vmem>> -> memref<1x64xi32, #tpu.memory_space<vmem>>
      %dma_start3A_69 = tpu.memref_squeeze %dma_start3A_68 : memref<1x64xi32, #tpu.memory_space<vmem>> -> memref<64xi32, #tpu.memory_space<vmem>>
      %dma_start3A_70 = tpu.memref_slice %arg4[%mul3A_32] : memref<320000xi32, #tpu.memory_space<hbm>> -> memref<64xi32, #tpu.memory_space<hbm>>
      %dma_start3A_71 = arith.constant 0 : i32
      %dma_start3A_72 = tpu.memref_slice %arg7[%run_scoped3A_34, %dma_start3A_71] : memref<3x64xi32, #tpu.memory_space<vmem>> -> memref<1x64xi32, #tpu.memory_space<vmem>>
      %dma_start3A_73 = tpu.memref_squeeze %dma_start3A_72 : memref<1x64xi32, #tpu.memory_space<vmem>> -> memref<64xi32, #tpu.memory_space<vmem>>
      %dma_start3A_74 = tpu.memref_slice %arg4[%mul3A_32] : memref<320000xi32, #tpu.memory_space<hbm>> -> memref<64xi32, #tpu.memory_space<hbm>>
      tpu.enqueue_dma source(%dma_start3A_74 : memref<64xi32, #tpu.memory_space<hbm>>) target(%dma_start3A_73 : memref<64xi32, #tpu.memory_space<vmem>>) target_semaphore(%run_scoped3A_66 : memref<!tpu.dma_semaphore, #tpu.memory_space<semaphore_mem>>)
      %dma_wait3A = arith.constant 0 : i32
      %dma_wait3A_75 = tpu.memref_slice %arg7[%run_scoped3A_34, %dma_wait3A] : memref<3x64xi32, #tpu.memory_space<vmem>> -> memref<1x64xi32, #tpu.memory_space<vmem>>
      %dma_wait3A_76 = tpu.memref_squeeze %dma_wait3A_75 : memref<1x64xi32, #tpu.memory_space<vmem>> -> memref<64xi32, #tpu.memory_space<vmem>>
      %dma_wait3A_77 = tpu.memref_slice %arg4[%mul3A_32] : memref<320000xi32, #tpu.memory_space<hbm>> -> memref<64xi32, #tpu.memory_space<hbm>>
      %dma_wait3A_78 = arith.constant 0 : i32
      %dma_wait3A_79 = tpu.memref_slice %arg7[%run_scoped3A_34, %dma_wait3A_78] : memref<3x64xi32, #tpu.memory_space<vmem>> -> memref<1x64xi32, #tpu.memory_space<vmem>>
      %dma_wait3A_80 = tpu.memref_squeeze %dma_wait3A_79 : memref<1x64xi32, #tpu.memory_space<vmem>> -> memref<64xi32, #tpu.memory_space<vmem>>
      %dma_wait3A_81 = tpu.memref_slice %arg4[%mul3A_32] : memref<320000xi32, #tpu.memory_space<hbm>> -> memref<64xi32, #tpu.memory_space<hbm>>
      tpu.wait_dma2 semaphore(%run_scoped3A_66 : memref<!tpu.dma_semaphore, #tpu.memory_space<semaphore_mem>>) src(%dma_wait3A_81 : memref<64xi32, #tpu.memory_space<hbm>>) dst(%dma_wait3A_80 : memref<64xi32, #tpu.memory_space<vmem>>)
      tpu.yield
    }) : () -> ()
    %dma_start3A_35 = arith.constant 1 : i32
    %dma_start3A_36 = arith.constant 1 : i32
    %dma_start3A_37 = arith.constant 0 : i32
    %dma_start3A_38 = arith.constant 0 : i32
    %dma_start3A_39 = tpu.memref_slice %arg8[%dma_start3A_36, %dma_start3A_37, %dma_start3A_38] : memref<3x64x16xf32, #tpu.memory_space<vmem>> -> memref<1x64x16xf32, #tpu.memory_space<vmem>>
    %dma_start3A_40 = tpu.memref_squeeze %dma_start3A_39 : memref<1x64x16xf32, #tpu.memory_space<vmem>> -> memref<64x16xf32, #tpu.memory_space<vmem>>
    %dma_start3A_41 = arith.constant 0 : i32
    %dma_start3A_42 = tpu.memref_slice %arg6[%dma_start3A_35, %dma_start3A_41] : memref<3x64xi32, #tpu.memory_space<vmem>> -> memref<1x64xi32, #tpu.memory_space<vmem>>
    %dma_start3A_43 = tpu.memref_squeeze %dma_start3A_42 : memref<1x64xi32, #tpu.memory_space<vmem>> -> memref<64xi32, #tpu.memory_space<vmem>>
    %dma_start3A_44 = arith.constant 0 : i32
    %dma_start3A_45 = arith.constant 0 : i32
    %dma_start3A_46 = tpu.memref_slice %arg2[%dma_start3A_44, %dma_start3A_45] : memref<10000x16xf32, #tpu.memory_space<hbm>> -> memref<10000x16xf32, #tpu.memory_space<hbm>>
    tpu.enqueue_indirect_dma source(%dma_start3A_46 : memref<10000x16xf32, #tpu.memory_space<hbm>>) target(%dma_start3A_40 : memref<64x16xf32, #tpu.memory_space<vmem>>) offsets(%dma_start3A_43 : memref<64xi32, #tpu.memory_space<vmem>>) semaphore(%arg11 : memref<!tpu.dma_semaphore, #tpu.memory_space<semaphore_mem>>)
    %dma_start3A_47 = arith.constant 1 : i32
    %dma_start3A_48 = arith.constant 1 : i32
    %dma_start3A_49 = arith.constant 0 : i32
    %dma_start3A_50 = arith.constant 0 : i32
    %dma_start3A_51 = tpu.memref_slice %arg9[%dma_start3A_48, %dma_start3A_49, %dma_start3A_50] : memref<3x64x16xf32, #tpu.memory_space<vmem>> -> memref<1x64x16xf32, #tpu.memory_space<vmem>>
    %dma_start3A_52 = tpu.memref_squeeze %dma_start3A_51 : memref<1x64x16xf32, #tpu.memory_space<vmem>> -> memref<64x16xf32, #tpu.memory_space<vmem>>
    %dma_start3A_53 = arith.constant 0 : i32
    %dma_start3A_54 = tpu.memref_slice %arg7[%dma_start3A_47, %dma_start3A_53] : memref<3x64xi32, #tpu.memory_space<vmem>> -> memref<1x64xi32, #tpu.memory_space<vmem>>
    %dma_start3A_55 = tpu.memref_squeeze %dma_start3A_54 : memref<1x64xi32, #tpu.memory_space<vmem>> -> memref<64xi32, #tpu.memory_space<vmem>>
    %dma_start3A_56 = arith.constant 0 : i32
    %dma_start3A_57 = arith.constant 0 : i32
    %dma_start3A_58 = tpu.memref_slice %arg2[%dma_start3A_56, %dma_start3A_57] : memref<10000x16xf32, #tpu.memory_space<hbm>> -> memref<10000x16xf32, #tpu.memory_space<hbm>>
    tpu.enqueue_indirect_dma source(%dma_start3A_58 : memref<10000x16xf32, #tpu.memory_space<hbm>>) target(%dma_start3A_52 : memref<64x16xf32, #tpu.memory_space<vmem>>) offsets(%dma_start3A_55 : memref<64xi32, #tpu.memory_space<vmem>>) semaphore(%arg14 : memref<!tpu.dma_semaphore, #tpu.memory_space<semaphore_mem>>)
    %scan3A = arith.constant 0 : i32
    %scan3A_59 = arith.constant 0 : i32
    %scan3A_60 = arith.constant 52 : i32
    %scan3A_61 = arith.addi %scan3A_59, %scan3A_60 : i32
    %scan3A_62 = arith.constant 1 : i32
    scf.for %scan3A_66 = %scan3A_59 to %scan3A_61 step %scan3A_62  : i32 {
      %mul3A_67 = arith.constant 3 : i32
      %mul3A_68 = arith.muli %mul3A_67, %scan3A_66 : i32
      %add3A_69 = arith.constant 0 : i32
      %add3A_70 = arith.addi %mul3A_68, %add3A_69 : i32
      %mul3A_71 = arith.constant 32 : i32
      %mul3A_72 = arith.muli %add3A_70, %mul3A_71 : i32
      %add3A_73 = arith.addi %add3A, %mul3A_72 : i32
      %mul3A_74 = arith.constant 64 : i32
      %mul3A_75 = arith.muli %add3A_73, %mul3A_74 : i32
      %dma_wait3A = arith.constant 0 : i32
      %dma_wait3A_76 = arith.constant 0 : i32
      %dma_wait3A_77 = arith.constant 0 : i32
      %dma_wait3A_78 = arith.constant 0 : i32
      %dma_wait3A_79 = tpu.memref_slice %arg8[%dma_wait3A_76, %dma_wait3A_77, %dma_wait3A_78] : memref<3x64x16xf32, #tpu.memory_space<vmem>> -> memref<1x64x16xf32, #tpu.memory_space<vmem>>
      %dma_wait3A_80 = tpu.memref_squeeze %dma_wait3A_79 : memref<1x64x16xf32, #tpu.memory_space<vmem>> -> memref<64x16xf32, #tpu.memory_space<vmem>>
      %dma_wait3A_81 = arith.constant 0 : i32
      %dma_wait3A_82 = tpu.memref_slice %arg6[%dma_wait3A, %dma_wait3A_81] : memref<3x64xi32, #tpu.memory_space<vmem>> -> memref<1x64xi32, #tpu.memory_space<vmem>>
      %dma_wait3A_83 = tpu.memref_squeeze %dma_wait3A_82 : memref<1x64xi32, #tpu.memory_space<vmem>> -> memref<64xi32, #tpu.memory_space<vmem>>
      %dma_wait3A_84 = arith.constant 0 : i32
      %dma_wait3A_85 = arith.constant 0 : i32
      %dma_wait3A_86 = tpu.memref_slice %arg2[%dma_wait3A_84, %dma_wait3A_85] : memref<10000x16xf32, #tpu.memory_space<hbm>> -> memref<10000x16xf32, #tpu.memory_space<hbm>>
      tpu.wait_indirect_dma semaphore(%arg10 : memref<!tpu.dma_semaphore, #tpu.memory_space<semaphore_mem>>) src(%dma_wait3A_86 : memref<10000x16xf32, #tpu.memory_space<hbm>>) dst(%dma_wait3A_80 : memref<64x16xf32, #tpu.memory_space<vmem>>)
      %dma_wait3A_87 = arith.constant 0 : i32
      %dma_wait3A_88 = arith.constant 0 : i32
      %dma_wait3A_89 = arith.constant 0 : i32
      %dma_wait3A_90 = arith.constant 0 : i32
      %dma_wait3A_91 = tpu.memref_slice %arg9[%dma_wait3A_88, %dma_wait3A_89, %dma_wait3A_90] : memref<3x64x16xf32, #tpu.memory_space<vmem>> -> memref<1x64x16xf32, #tpu.memory_space<vmem>>
      %dma_wait3A_92 = tpu.memref_squeeze %dma_wait3A_91 : memref<1x64x16xf32, #tpu.memory_space<vmem>> -> memref<64x16xf32, #tpu.memory_space<vmem>>
      %dma_wait3A_93 = arith.constant 0 : i32
      %dma_wait3A_94 = tpu.memref_slice %arg7[%dma_wait3A_87, %dma_wait3A_93] : memref<3x64xi32, #tpu.memory_space<vmem>> -> memref<1x64xi32, #tpu.memory_space<vmem>>
      %dma_wait3A_95 = tpu.memref_squeeze %dma_wait3A_94 : memref<1x64xi32, #tpu.memory_space<vmem>> -> memref<64xi32, #tpu.memory_space<vmem>>
      %dma_wait3A_96 = arith.constant 0 : i32
      %dma_wait3A_97 = arith.constant 0 : i32
      %dma_wait3A_98 = tpu.memref_slice %arg2[%dma_wait3A_96, %dma_wait3A_97] : memref<10000x16xf32, #tpu.memory_space<hbm>> -> memref<10000x16xf32, #tpu.memory_space<hbm>>
      tpu.wait_indirect_dma semaphore(%arg13 : memref<!tpu.dma_semaphore, #tpu.memory_space<semaphore_mem>>) src(%dma_wait3A_98 : memref<10000x16xf32, #tpu.memory_space<hbm>>) dst(%dma_wait3A_92 : memref<64x16xf32, #tpu.memory_space<vmem>>)
      %scan3A_99 = arith.constant 0 : i32
      %scan3A_100 = arith.constant 0 : i32
      %scan3A_101 = arith.constant 64 : i32
      %scan3A_102 = arith.addi %scan3A_100, %scan3A_101 : i32
      %scan3A_103 = arith.constant 1 : i32
      scf.for %scan3A_229 = %scan3A_100 to %scan3A_102 step %scan3A_103  : i32 {
        %get3A = arith.constant 0 : i32
        %get3A_230 = arith.index_cast %get3A : i32 to index
        %get3A_231 = arith.index_cast %scan3A_229 : i32 to index
        %get3A_232 = arith.constant 0 : index
        %get3A_233 = tpu.vector_load %arg8[%get3A_230, %get3A_231, %get3A_232] {strides = array<i32>} : memref<3x64x16xf32, #tpu.memory_space<vmem>>, vector<1x1x16xf32>,
        %get3A_234 = vector.shape_cast %get3A_233 : vector<1x1x16xf32> to vector<16xf32>
        %get3A_235 = arith.constant 0 : i32
        %get3A_236 = arith.index_cast %get3A_235 : i32 to index
        %get3A_237 = arith.index_cast %scan3A_229 : i32 to index
        %get3A_238 = arith.constant 0 : index
        %get3A_239 = tpu.vector_load %arg9[%get3A_236, %get3A_237, %get3A_238] {strides = array<i32>} : memref<3x64x16xf32, #tpu.memory_space<vmem>>, vector<1x1x16xf32>,
        %get3A_240 = vector.shape_cast %get3A_239 : vector<1x1x16xf32> to vector<16xf32>
        %sub3A = arith.subf %get3A_234, %get3A_240 : vector<16xf32>
        %swap3A = arith.constant 0 : i32
        %swap3A_241 = arith.index_cast %swap3A : i32 to index
        %swap3A_242 = arith.index_cast %scan3A_229 : i32 to index
        %swap3A_243 = arith.constant 0 : index
        %swap3A_244 = tpu.vector_load %arg8[%swap3A_241, %swap3A_242, %swap3A_243] {strides = array<i32>} : memref<3x64x16xf32, #tpu.memory_space<vmem>>, vector<1x1x16xf32>,
        %swap3A_245 = vector.shape_cast %swap3A_244 : vector<1x1x16xf32> to vector<16xf32>
        %swap3A_246 = vector.shape_cast %sub3A : vector<16xf32> to vector<1x1x16xf32>
        tpu.vector_store %arg8[%swap3A_241, %swap3A_242, %swap3A_243], %swap3A_246 {strides = array<i32>} : memref<3x64x16xf32, #tpu.memory_space<vmem>>, vector<1x1x16xf32>,
      }
      %scan3A_104 = arith.constant 64 : i32
      %run_scoped3A_105 = arith.constant 0 : i32
      "tpu.region"() ({
        %run_scoped3A_229 = tpu.sem_alloc : memref<!tpu.dma_semaphore, #tpu.memory_space<semaphore_mem>>
        %dma_start3A_230 = arith.constant 0 : i32
        %dma_start3A_231 = arith.constant 0 : i32
        %dma_start3A_232 = tpu.memref_slice %arg8[%run_scoped3A_105, %dma_start3A_230, %dma_start3A_231] : memref<3x64x16xf32, #tpu.memory_space<vmem>> -> memref<1x64x16xf32, #tpu.memory_space<vmem>>
        %dma_start3A_233 = tpu.memref_squeeze %dma_start3A_232 : memref<1x64x16xf32, #tpu.memory_space<vmem>> -> memref<64x16xf32, #tpu.memory_space<vmem>>
        %dma_start3A_234 = arith.constant 0 : i32
        %dma_start3A_235 = tpu.memref_slice %arg5[%mul3A_75, %dma_start3A_234] : memref<320000x16xf32, #tpu.memory_space<hbm>> -> memref<64x16xf32, #tpu.memory_space<hbm>>
        %dma_start3A_236 = arith.constant 0 : i32
        %dma_start3A_237 = tpu.memref_slice %arg5[%mul3A_75, %dma_start3A_236] : memref<320000x16xf32, #tpu.memory_space<hbm>> -> memref<64x16xf32, #tpu.memory_space<hbm>>
        %dma_start3A_238 = arith.constant 0 : i32
        %dma_start3A_239 = arith.constant 0 : i32
        %dma_start3A_240 = tpu.memref_slice %arg8[%run_scoped3A_105, %dma_start3A_238, %dma_start3A_239] : memref<3x64x16xf32, #tpu.memory_space<vmem>> -> memref<1x64x16xf32, #tpu.memory_space<vmem>>
        %dma_start3A_241 = tpu.memref_squeeze %dma_start3A_240 : memref<1x64x16xf32, #tpu.memory_space<vmem>> -> memref<64x16xf32, #tpu.memory_space<vmem>>
        tpu.enqueue_dma source(%dma_start3A_241 : memref<64x16xf32, #tpu.memory_space<vmem>>) target(%dma_start3A_237 : memref<64x16xf32, #tpu.memory_space<hbm>>) target_semaphore(%run_scoped3A_229 : memref<!tpu.dma_semaphore, #tpu.memory_space<semaphore_mem>>)
        %dma_wait3A_242 = arith.constant 0 : i32
        %dma_wait3A_243 = arith.constant 0 : i32
        %dma_wait3A_244 = tpu.memref_slice %arg8[%run_scoped3A_105, %dma_wait3A_242, %dma_wait3A_243] : memref<3x64x16xf32, #tpu.memory_space<vmem>> -> memref<1x64x16xf32, #tpu.memory_space<vmem>>
        %dma_wait3A_245 = tpu.memref_squeeze %dma_wait3A_244 : memref<1x64x16xf32, #tpu.memory_space<vmem>> -> memref<64x16xf32, #tpu.memory_space<vmem>>
        %dma_wait3A_246 = arith.constant 0 : i32
        %dma_wait3A_247 = tpu.memref_slice %arg5[%mul3A_75, %dma_wait3A_246] : memref<320000x16xf32, #tpu.memory_space<hbm>> -> memref<64x16xf32, #tpu.memory_space<hbm>>
        %dma_wait3A_248 = arith.constant 0 : i32
        %dma_wait3A_249 = tpu.memref_slice %arg5[%mul3A_75, %dma_wait3A_248] : memref<320000x16xf32, #tpu.memory_space<hbm>> -> memref<64x16xf32, #tpu.memory_space<hbm>>
        %dma_wait3A_250 = arith.constant 0 : i32
        %dma_wait3A_251 = arith.constant 0 : i32
        %dma_wait3A_252 = tpu.memref_slice %arg8[%run_scoped3A_105, %dma_wait3A_250, %dma_wait3A_251] : memref<3x64x16xf32, #tpu.memory_space<vmem>> -> memref<1x64x16xf32, #tpu.memory_space<vmem>>
        %dma_wait3A_253 = tpu.memref_squeeze %dma_wait3A_252 : memref<1x64x16xf32, #tpu.memory_space<vmem>> -> memref<64x16xf32, #tpu.memory_space<vmem>>
        tpu.wait_dma2 semaphore(%run_scoped3A_229 : memref<!tpu.dma_semaphore, #tpu.memory_space<semaphore_mem>>) src(%dma_wait3A_253 : memref<64x16xf32, #tpu.memory_space<vmem>>) dst(%dma_wait3A_249 : memref<64x16xf32, #tpu.memory_space<hbm>>)
        tpu.yield
      }) : () -> ()
      %add3A_106 = arith.constant 2 : i32
      %add3A_107 = arith.addi %add3A_70, %add3A_106 : i32
      %mul3A_108 = arith.constant 32 : i32
      %mul3A_109 = arith.muli %add3A_107, %mul3A_108 : i32
      %add3A_110 = arith.addi %add3A, %mul3A_109 : i32
      %mul3A_111 = arith.constant 64 : i32
      %mul3A_112 = arith.muli %add3A_110, %mul3A_111 : i32
      %run_scoped3A_113 = arith.constant 2 : i32
      "tpu.region"() ({
        %run_scoped3A_229 = tpu.sem_alloc : memref<!tpu.dma_semaphore, #tpu.memory_space<semaphore_mem>>
        %dma_start3A_230 = arith.constant 0 : i32
        %dma_start3A_231 = tpu.memref_slice %arg6[%run_scoped3A_113, %dma_start3A_230] : memref<3x64xi32, #tpu.memory_space<vmem>> -> memref<1x64xi32, #tpu.memory_space<vmem>>
        %dma_start3A_232 = tpu.memref_squeeze %dma_start3A_231 : memref<1x64xi32, #tpu.memory_space<vmem>> -> memref<64xi32, #tpu.memory_space<vmem>>
        %dma_start3A_233 = tpu.memref_slice %arg3[%mul3A_112] : memref<320000xi32, #tpu.memory_space<hbm>> -> memref<64xi32, #tpu.memory_space<hbm>>
        %dma_start3A_234 = arith.constant 0 : i32
        %dma_start3A_235 = tpu.memref_slice %arg6[%run_scoped3A_113, %dma_start3A_234] : memref<3x64xi32, #tpu.memory_space<vmem>> -> memref<1x64xi32, #tpu.memory_space<vmem>>
        %dma_start3A_236 = tpu.memref_squeeze %dma_start3A_235 : memref<1x64xi32, #tpu.memory_space<vmem>> -> memref<64xi32, #tpu.memory_space<vmem>>
        %dma_start3A_237 = tpu.memref_slice %arg3[%mul3A_112] : memref<320000xi32, #tpu.memory_space<hbm>> -> memref<64xi32, #tpu.memory_space<hbm>>
        tpu.enqueue_dma source(%dma_start3A_237 : memref<64xi32, #tpu.memory_space<hbm>>) target(%dma_start3A_236 : memref<64xi32, #tpu.memory_space<vmem>>) target_semaphore(%run_scoped3A_229 : memref<!tpu.dma_semaphore, #tpu.memory_space<semaphore_mem>>)
        %dma_wait3A_238 = arith.constant 0 : i32
        %dma_wait3A_239 = tpu.memref_slice %arg6[%run_scoped3A_113, %dma_wait3A_238] : memref<3x64xi32, #tpu.memory_space<vmem>> -> memref<1x64xi32, #tpu.memory_space<vmem>>
        %dma_wait3A_240 = tpu.memref_squeeze %dma_wait3A_239 : memref<1x64xi32, #tpu.memory_space<vmem>> -> memref<64xi32, #tpu.memory_space<vmem>>
        %dma_wait3A_241 = tpu.memref_slice %arg3[%mul3A_112] : memref<320000xi32, #tpu.memory_space<hbm>> -> memref<64xi32, #tpu.memory_space<hbm>>
        %dma_wait3A_242 = arith.constant 0 : i32
        %dma_wait3A_243 = tpu.memref_slice %arg6[%run_scoped3A_113, %dma_wait3A_242] : memref<3x64xi32, #tpu.memory_space<vmem>> -> memref<1x64xi32, #tpu.memory_space<vmem>>
        %dma_wait3A_244 = tpu.memref_squeeze %dma_wait3A_243 : memref<1x64xi32, #tpu.memory_space<vmem>> -> memref<64xi32, #tpu.memory_space<vmem>>
        %dma_wait3A_245 = tpu.memref_slice %arg3[%mul3A_112] : memref<320000xi32, #tpu.memory_space<hbm>> -> memref<64xi32, #tpu.memory_space<hbm>>
        tpu.wait_dma2 semaphore(%run_scoped3A_229 : memref<!tpu.dma_semaphore, #tpu.memory_space<semaphore_mem>>) src(%dma_wait3A_245 : memref<64xi32, #tpu.memory_space<hbm>>) dst(%dma_wait3A_244 : memref<64xi32, #tpu.memory_space<vmem>>)
        tpu.yield
      }) : () -> ()
      %run_scoped3A_114 = arith.constant 2 : i32
      "tpu.region"() ({
        %run_scoped3A_229 = tpu.sem_alloc : memref<!tpu.dma_semaphore, #tpu.memory_space<semaphore_mem>>
        %dma_start3A_230 = arith.constant 0 : i32
        %dma_start3A_231 = tpu.memref_slice %arg7[%run_scoped3A_114, %dma_start3A_230] : memref<3x64xi32, #tpu.memory_space<vmem>> -> memref<1x64xi32, #tpu.memory_space<vmem>>
        %dma_start3A_232 = tpu.memref_squeeze %dma_start3A_231 : memref<1x64xi32, #tpu.memory_space<vmem>> -> memref<64xi32, #tpu.memory_space<vmem>>
        %dma_start3A_233 = tpu.memref_slice %arg4[%mul3A_112] : memref<320000xi32, #tpu.memory_space<hbm>> -> memref<64xi32, #tpu.memory_space<hbm>>
        %dma_start3A_234 = arith.constant 0 : i32
        %dma_start3A_235 = tpu.memref_slice %arg7[%run_scoped3A_114, %dma_start3A_234] : memref<3x64xi32, #tpu.memory_space<vmem>> -> memref<1x64xi32, #tpu.memory_space<vmem>>
        %dma_start3A_236 = tpu.memref_squeeze %dma_start3A_235 : memref<1x64xi32, #tpu.memory_space<vmem>> -> memref<64xi32, #tpu.memory_space<vmem>>
        %dma_start3A_237 = tpu.memref_slice %arg4[%mul3A_112] : memref<320000xi32, #tpu.memory_space<hbm>> -> memref<64xi32, #tpu.memory_space<hbm>>
        tpu.enqueue_dma source(%dma_start3A_237 : memref<64xi32, #tpu.memory_space<hbm>>) target(%dma_start3A_236 : memref<64xi32, #tpu.memory_space<vmem>>) target_semaphore(%run_scoped3A_229 : memref<!tpu.dma_semaphore, #tpu.memory_space<semaphore_mem>>)
        %dma_wait3A_238 = arith.constant 0 : i32
        %dma_wait3A_239 = tpu.memref_slice %arg7[%run_scoped3A_114, %dma_wait3A_238] : memref<3x64xi32, #tpu.memory_space<vmem>> -> memref<1x64xi32, #tpu.memory_space<vmem>>
        %dma_wait3A_240 = tpu.memref_squeeze %dma_wait3A_239 : memref<1x64xi32, #tpu.memory_space<vmem>> -> memref<64xi32, #tpu.memory_space<vmem>>
        %dma_wait3A_241 = tpu.memref_slice %arg4[%mul3A_112] : memref<320000xi32, #tpu.memory_space<hbm>> -> memref<64xi32, #tpu.memory_space<hbm>>
        %dma_wait3A_242 = arith.constant 0 : i32
        %dma_wait3A_243 = tpu.memref_slice %arg7[%run_scoped3A_114, %dma_wait3A_242] : memref<3x64xi32, #tpu.memory_space<vmem>> -> memref<1x64xi32, #tpu.memory_space<vmem>>
        %dma_wait3A_244 = tpu.memref_squeeze %dma_wait3A_243 : memref<1x64xi32, #tpu.memory_space<vmem>> -> memref<64xi32, #tpu.memory_space<vmem>>
        %dma_wait3A_245 = tpu.memref_slice %arg4[%mul3A_112] : memref<320000xi32, #tpu.memory_space<hbm>> -> memref<64xi32, #tpu.memory_space<hbm>>
        tpu.wait_dma2 semaphore(%run_scoped3A_229 : memref<!tpu.dma_semaphore, #tpu.memory_space<semaphore_mem>>) src(%dma_wait3A_245 : memref<64xi32, #tpu.memory_space<hbm>>) dst(%dma_wait3A_244 : memref<64xi32, #tpu.memory_space<vmem>>)
        tpu.yield
      }) : () -> ()
      %dma_start3A_115 = arith.constant 2 : i32
      %dma_start3A_116 = arith.constant 2 : i32
      %dma_start3A_117 = arith.constant 0 : i32
      %dma_start3A_118 = arith.constant 0 : i32
      %dma_start3A_119 = tpu.memref_slice %arg8[%dma_start3A_116, %dma_start3A_117, %dma_start3A_118] : memref<3x64x16xf32, #tpu.memory_space<vmem>> -> memref<1x64x16xf32, #tpu.memory_space<vmem>>
      %dma_start3A_120 = tpu.memref_squeeze %dma_start3A_119 : memref<1x64x16xf32, #tpu.memory_space<vmem>> -> memref<64x16xf32, #tpu.memory_space<vmem>>
      %dma_start3A_121 = arith.constant 0 : i32
      %dma_start3A_122 = tpu.memref_slice %arg6[%dma_start3A_115, %dma_start3A_121] : memref<3x64xi32, #tpu.memory_space<vmem>> -> memref<1x64xi32, #tpu.memory_space<vmem>>
      %dma_start3A_123 = tpu.memref_squeeze %dma_start3A_122 : memref<1x64xi32, #tpu.memory_space<vmem>> -> memref<64xi32, #tpu.memory_space<vmem>>
      %dma_start3A_124 = arith.constant 0 : i32
      %dma_start3A_125 = arith.constant 0 : i32
      %dma_start3A_126 = tpu.memref_slice %arg2[%dma_start3A_124, %dma_start3A_125] : memref<10000x16xf32, #tpu.memory_space<hbm>> -> memref<10000x16xf32, #tpu.memory_space<hbm>>
      tpu.enqueue_indirect_dma source(%dma_start3A_126 : memref<10000x16xf32, #tpu.memory_space<hbm>>) target(%dma_start3A_120 : memref<64x16xf32, #tpu.memory_space<vmem>>) offsets(%dma_start3A_123 : memref<64xi32, #tpu.memory_space<vmem>>) semaphore(%arg12 : memref<!tpu.dma_semaphore, #tpu.memory_space<semaphore_mem>>)
      %dma_start3A_127 = arith.constant 2 : i32
      %dma_start3A_128 = arith.constant 2 : i32
      %dma_start3A_129 = arith.constant 0 : i32
      %dma_start3A_130 = arith.constant 0 : i32
      %dma_start3A_131 = tpu.memref_slice %arg9[%dma_start3A_128, %dma_start3A_129, %dma_start3A_130] : memref<3x64x16xf32, #tpu.memory_space<vmem>> -> memref<1x64x16xf32, #tpu.memory_space<vmem>>
      %dma_start3A_132 = tpu.memref_squeeze %dma_start3A_131 : memref<1x64x16xf32, #tpu.memory_space<vmem>> -> memref<64x16xf32, #tpu.memory_space<vmem>>
      %dma_start3A_133 = arith.constant 0 : i32
      %dma_start3A_134 = tpu.memref_slice %arg7[%dma_start3A_127, %dma_start3A_133] : memref<3x64xi32, #tpu.memory_space<vmem>> -> memref<1x64xi32, #tpu.memory_space<vmem>>
      %dma_start3A_135 = tpu.memref_squeeze %dma_start3A_134 : memref<1x64xi32, #tpu.memory_space<vmem>> -> memref<64xi32, #tpu.memory_space<vmem>>
      %dma_start3A_136 = arith.constant 0 : i32
      %dma_start3A_137 = arith.constant 0 : i32
      %dma_start3A_138 = tpu.memref_slice %arg2[%dma_start3A_136, %dma_start3A_137] : memref<10000x16xf32, #tpu.memory_space<hbm>> -> memref<10000x16xf32, #tpu.memory_space<hbm>>
      tpu.enqueue_indirect_dma source(%dma_start3A_138 : memref<10000x16xf32, #tpu.memory_space<hbm>>) target(%dma_start3A_132 : memref<64x16xf32, #tpu.memory_space<vmem>>) offsets(%dma_start3A_135 : memref<64xi32, #tpu.memory_space<vmem>>) semaphore(%arg15 : memref<!tpu.dma_semaphore, #tpu.memory_space<semaphore_mem>>)
      %mul3A_139 = arith.constant 3 : i32
      %mul3A_140 = arith.muli %mul3A_139, %scan3A_66 : i32
      %add3A_141 = arith.constant 1 : i32
      %add3A_142 = arith.addi %mul3A_140, %add3A_141 : i32
      %mul3A_143 = arith.constant 32 : i32
      %mul3A_144 = arith.muli %add3A_142, %mul3A_143 : i32
      %add3A_145 = arith.addi %add3A, %mul3A_144 : i32
      %mul3A_146 = arith.constant 64 : i32
      %mul3A_147 = arith.muli %add3A_145, %mul3A_146 : i32
      %dma_wait3A_148 = arith.constant 1 : i32
      %dma_wait3A_149 = arith.constant 1 : i32
      %dma_wait3A_150 = arith.constant 0 : i32
      %dma_wait3A_151 = arith.constant 0 : i32
      %dma_wait3A_152 = tpu.memref_slice %arg8[%dma_wait3A_149, %dma_wait3A_150, %dma_wait3A_151] : memref<3x64x16xf32, #tpu.memory_space<vmem>> -> memref<1x64x16xf32, #tpu.memory_space<vmem>>
      %dma_wait3A_153 = tpu.memref_squeeze %dma_wait3A_152 : memref<1x64x16xf32, #tpu.memory_space<vmem>> -> memref<64x16xf32, #tpu.memory_space<vmem>>
      %dma_wait3A_154 = arith.constant 0 : i32
      %dma_wait3A_155 = tpu.memref_slice %arg6[%dma_wait3A_148, %dma_wait3A_154] : memref<3x64xi32, #tpu.memory_space<vmem>> -> memref<1x64xi32, #tpu.memory_space<vmem>>
      %dma_wait3A_156 = tpu.memref_squeeze %dma_wait3A_155 : memref<1x64xi32, #tpu.memory_space<vmem>> -> memref<64xi32, #tpu.memory_space<vmem>>
      %dma_wait3A_157 = arith.constant 0 : i32
      %dma_wait3A_158 = arith.constant 0 : i32
      %dma_wait3A_159 = tpu.memref_slice %arg2[%dma_wait3A_157, %dma_wait3A_158] : memref<10000x16xf32, #tpu.memory_space<hbm>> -> memref<10000x16xf32, #tpu.memory_space<hbm>>
      tpu.wait_indirect_dma semaphore(%arg11 : memref<!tpu.dma_semaphore, #tpu.memory_space<semaphore_mem>>) src(%dma_wait3A_159 : memref<10000x16xf32, #tpu.memory_space<hbm>>) dst(%dma_wait3A_153 : memref<64x16xf32, #tpu.memory_space<vmem>>)
      %dma_wait3A_160 = arith.constant 1 : i32
      %dma_wait3A_161 = arith.constant 1 : i32
      %dma_wait3A_162 = arith.constant 0 : i32
      %dma_wait3A_163 = arith.constant 0 : i32
      %dma_wait3A_164 = tpu.memref_slice %arg9[%dma_wait3A_161, %dma_wait3A_162, %dma_wait3A_163] : memref<3x64x16xf32, #tpu.memory_space<vmem>> -> memref<1x64x16xf32, #tpu.memory_space<vmem>>
      %dma_wait3A_165 = tpu.memref_squeeze %dma_wait3A_164 : memref<1x64x16xf32, #tpu.memory_space<vmem>> -> memref<64x16xf32, #tpu.memory_space<vmem>>
      %dma_wait3A_166 = arith.constant 0 : i32
      %dma_wait3A_167 = tpu.memref_slice %arg7[%dma_wait3A_160, %dma_wait3A_166] : memref<3x64xi32, #tpu.memory_space<vmem>> -> memref<1x64xi32, #tpu.memory_space<vmem>>
      %dma_wait3A_168 = tpu.memref_squeeze %dma_wait3A_167 : memref<1x64xi32, #tpu.memory_space<vmem>> -> memref<64xi32, #tpu.memory_space<vmem>>
      %dma_wait3A_169 = arith.constant 0 : i32
      %dma_wait3A_170 = arith.constant 0 : i32
      %dma_wait3A_171 = tpu.memref_slice %arg2[%dma_wait3A_169, %dma_wait3A_170] : memref<10000x16xf32, #tpu.memory_space<hbm>> -> memref<10000x16xf32, #tpu.memory_space<hbm>>
      tpu.wait_indirect_dma semaphore(%arg14 : memref<!tpu.dma_semaphore, #tpu.memory_space<semaphore_mem>>) src(%dma_wait3A_171 : memref<10000x16xf32, #tpu.memory_space<hbm>>) dst(%dma_wait3A_165 : memref<64x16xf32, #tpu.memory_space<vmem>>)
      %scan3A_172 = arith.constant 0 : i32
      %scan3A_173 = arith.constant 0 : i32
      %scan3A_174 = arith.constant 64 : i32
      %scan3A_175 = arith.addi %scan3A_173, %scan3A_174 : i32
      %scan3A_176 = arith.constant 1 : i32
      scf.for %scan3A_229 = %scan3A_173 to %scan3A_175 step %scan3A_176  : i32 {
        %get3A = arith.constant 1 : i32
        %get3A_230 = arith.index_cast %get3A : i32 to index
        %get3A_231 = arith.index_cast %scan3A_229 : i32 to index
        %get3A_232 = arith.constant 0 : index
        %get3A_233 = tpu.vector_load %arg8[%get3A_230, %get3A_231, %get3A_232] {strides = array<i32>} : memref<3x64x16xf32, #tpu.memory_space<vmem>>, vector<1x1x16xf32>,
        %get3A_234 = vector.shape_cast %get3A_233 : vector<1x1x16xf32> to vector<16xf32>
        %get3A_235 = arith.constant 1 : i32
        %get3A_236 = arith.index_cast %get3A_235 : i32 to index
        %get3A_237 = arith.index_cast %scan3A_229 : i32 to index
        %get3A_238 = arith.constant 0 : index
        %get3A_239 = tpu.vector_load %arg9[%get3A_236, %get3A_237, %get3A_238] {strides = array<i32>} : memref<3x64x16xf32, #tpu.memory_space<vmem>>, vector<1x1x16xf32>,
        %get3A_240 = vector.shape_cast %get3A_239 : vector<1x1x16xf32> to vector<16xf32>
        %sub3A = arith.subf %get3A_234, %get3A_240 : vector<16xf32>
        %swap3A = arith.constant 1 : i32
        %swap3A_241 = arith.index_cast %swap3A : i32 to index
        %swap3A_242 = arith.index_cast %scan3A_229 : i32 to index
        %swap3A_243 = arith.constant 0 : index
        %swap3A_244 = tpu.vector_load %arg8[%swap3A_241, %swap3A_242, %swap3A_243] {strides = array<i32>} : memref<3x64x16xf32, #tpu.memory_space<vmem>>, vector<1x1x16xf32>,
        %swap3A_245 = vector.shape_cast %swap3A_244 : vector<1x1x16xf32> to vector<16xf32>
        %swap3A_246 = vector.shape_cast %sub3A : vector<16xf32> to vector<1x1x16xf32>
        tpu.vector_store %arg8[%swap3A_241, %swap3A_242, %swap3A_243], %swap3A_246 {strides = array<i32>} : memref<3x64x16xf32, #tpu.memory_space<vmem>>, vector<1x1x16xf32>,
      }
      %scan3A_177 = arith.constant 64 : i32
      %run_scoped3A_178 = arith.constant 1 : i32
      "tpu.region"() ({
        %run_scoped3A_229 = tpu.sem_alloc : memref<!tpu.dma_semaphore, #tpu.memory_space<semaphore_mem>>
        %dma_start3A_230 = arith.constant 0 : i32
        %dma_start3A_231 = arith.constant 0 : i32
        %dma_start3A_232 = tpu.memref_slice %arg8[%run_scoped3A_178, %dma_start3A_230, %dma_start3A_231] : memref<3x64x16xf32, #tpu.memory_space<vmem>> -> memref<1x64x16xf32, #tpu.memory_space<vmem>>
        %dma_start3A_233 = tpu.memref_squeeze %dma_start3A_232 : memref<1x64x16xf32, #tpu.memory_space<vmem>> -> memref<64x16xf32, #tpu.memory_space<vmem>>
        %dma_start3A_234 = arith.constant 0 : i32
        %dma_start3A_235 = tpu.memref_slice %arg5[%mul3A_147, %dma_start3A_234] : memref<320000x16xf32, #tpu.memory_space<hbm>> -> memref<64x16xf32, #tpu.memory_space<hbm>>
        %dma_start3A_236 = arith.constant 0 : i32
        %dma_start3A_237 = tpu.memref_slice %arg5[%mul3A_147, %dma_start3A_236] : memref<320000x16xf32, #tpu.memory_space<hbm>> -> memref<64x16xf32, #tpu.memory_space<hbm>>
        %dma_start3A_238 = arith.constant 0 : i32
        %dma_start3A_239 = arith.constant 0 : i32
        %dma_start3A_240 = tpu.memref_slice %arg8[%run_scoped3A_178, %dma_start3A_238, %dma_start3A_239] : memref<3x64x16xf32, #tpu.memory_space<vmem>> -> memref<1x64x16xf32, #tpu.memory_space<vmem>>
        %dma_start3A_241 = tpu.memref_squeeze %dma_start3A_240 : memref<1x64x16xf32, #tpu.memory_space<vmem>> -> memref<64x16xf32, #tpu.memory_space<vmem>>
        tpu.enqueue_dma source(%dma_start3A_241 : memref<64x16xf32, #tpu.memory_space<vmem>>) target(%dma_start3A_237 : memref<64x16xf32, #tpu.memory_space<hbm>>) target_semaphore(%run_scoped3A_229 : memref<!tpu.dma_semaphore, #tpu.memory_space<semaphore_mem>>)
        %dma_wait3A_242 = arith.constant 0 : i32
        %dma_wait3A_243 = arith.constant 0 : i32
        %dma_wait3A_244 = tpu.memref_slice %arg8[%run_scoped3A_178, %dma_wait3A_242, %dma_wait3A_243] : memref<3x64x16xf32, #tpu.memory_space<vmem>> -> memref<1x64x16xf32, #tpu.memory_space<vmem>>
        %dma_wait3A_245 = tpu.memref_squeeze %dma_wait3A_244 : memref<1x64x16xf32, #tpu.memory_space<vmem>> -> memref<64x16xf32, #tpu.memory_space<vmem>>
        %dma_wait3A_246 = arith.constant 0 : i32
        %dma_wait3A_247 = tpu.memref_slice %arg5[%mul3A_147, %dma_wait3A_246] : memref<320000x16xf32, #tpu.memory_space<hbm>> -> memref<64x16xf32, #tpu.memory_space<hbm>>
        %dma_wait3A_248 = arith.constant 0 : i32
        %dma_wait3A_249 = tpu.memref_slice %arg5[%mul3A_147, %dma_wait3A_248] : memref<320000x16xf32, #tpu.memory_space<hbm>> -> memref<64x16xf32, #tpu.memory_space<hbm>>
        %dma_wait3A_250 = arith.constant 0 : i32
        %dma_wait3A_251 = arith.constant 0 : i32
        %dma_wait3A_252 = tpu.memref_slice %arg8[%run_scoped3A_178, %dma_wait3A_250, %dma_wait3A_251] : memref<3x64x16xf32, #tpu.memory_space<vmem>> -> memref<1x64x16xf32, #tpu.memory_space<vmem>>
        %dma_wait3A_253 = tpu.memref_squeeze %dma_wait3A_252 : memref<1x64x16xf32, #tpu.memory_space<vmem>> -> memref<64x16xf32, #tpu.memory_space<vmem>>
        tpu.wait_dma2 semaphore(%run_scoped3A_229 : memref<!tpu.dma_semaphore, #tpu.memory_space<semaphore_mem>>) src(%dma_wait3A_253 : memref<64x16xf32, #tpu.memory_space<vmem>>) dst(%dma_wait3A_249 : memref<64x16xf32, #tpu.memory_space<hbm>>)
        tpu.yield
      }) : () -> ()
      %lt3A_179 = arith.constant 51 : i32
      %lt3A_180 = arith.cmpi slt, %scan3A_66, %lt3A_179 : i32
      %convert_element_type3A_181 = arith.extui %lt3A_180 : i1 to i32
      %cond3A_182 = arith.constant 0 : i32
      %cond3A_183 = arith.cmpi ne, %convert_element_type3A_181, %cond3A_182 : i32
      scf.if %cond3A_183 {
        %add3A_229 = arith.constant 2 : i32
        %add3A_230 = arith.addi %add3A_142, %add3A_229 : i32
        %mul3A_231 = arith.constant 32 : i32
        %mul3A_232 = arith.muli %add3A_230, %mul3A_231 : i32
        %add3A_233 = arith.addi %add3A, %mul3A_232 : i32
        %mul3A_234 = arith.constant 64 : i32
        %mul3A_235 = arith.muli %add3A_233, %mul3A_234 : i32
        %run_scoped3A_236 = arith.constant 0 : i32
        "tpu.region"() ({
          %run_scoped3A_262 = tpu.sem_alloc : memref<!tpu.dma_semaphore, #tpu.memory_space<semaphore_mem>>
          %dma_start3A_263 = arith.constant 0 : i32
          %dma_start3A_264 = tpu.memref_slice %arg6[%run_scoped3A_236, %dma_start3A_263] : memref<3x64xi32, #tpu.memory_space<vmem>> -> memref<1x64xi32, #tpu.memory_space<vmem>>
          %dma_start3A_265 = tpu.memref_squeeze %dma_start3A_264 : memref<1x64xi32, #tpu.memory_space<vmem>> -> memref<64xi32, #tpu.memory_space<vmem>>
          %dma_start3A_266 = tpu.memref_slice %arg3[%mul3A_235] : memref<320000xi32, #tpu.memory_space<hbm>> -> memref<64xi32, #tpu.memory_space<hbm>>
          %dma_start3A_267 = arith.constant 0 : i32
          %dma_start3A_268 = tpu.memref_slice %arg6[%run_scoped3A_236, %dma_start3A_267] : memref<3x64xi32, #tpu.memory_space<vmem>> -> memref<1x64xi32, #tpu.memory_space<vmem>>
          %dma_start3A_269 = tpu.memref_squeeze %dma_start3A_268 : memref<1x64xi32, #tpu.memory_space<vmem>> -> memref<64xi32, #tpu.memory_space<vmem>>
          %dma_start3A_270 = tpu.memref_slice %arg3[%mul3A_235] : memref<320000xi32, #tpu.memory_space<hbm>> -> memref<64xi32, #tpu.memory_space<hbm>>
          tpu.enqueue_dma source(%dma_start3A_270 : memref<64xi32, #tpu.memory_space<hbm>>) target(%dma_start3A_269 : memref<64xi32, #tpu.memory_space<vmem>>) target_semaphore(%run_scoped3A_262 : memref<!tpu.dma_semaphore, #tpu.memory_space<semaphore_mem>>)
          %dma_wait3A_271 = arith.constant 0 : i32
          %dma_wait3A_272 = tpu.memref_slice %arg6[%run_scoped3A_236, %dma_wait3A_271] : memref<3x64xi32, #tpu.memory_space<vmem>> -> memref<1x64xi32, #tpu.memory_space<vmem>>
          %dma_wait3A_273 = tpu.memref_squeeze %dma_wait3A_272 : memref<1x64xi32, #tpu.memory_space<vmem>> -> memref<64xi32, #tpu.memory_space<vmem>>
          %dma_wait3A_274 = tpu.memref_slice %arg3[%mul3A_235] : memref<320000xi32, #tpu.memory_space<hbm>> -> memref<64xi32, #tpu.memory_space<hbm>>
          %dma_wait3A_275 = arith.constant 0 : i32
          %dma_wait3A_276 = tpu.memref_slice %arg6[%run_scoped3A_236, %dma_wait3A_275] : memref<3x64xi32, #tpu.memory_space<vmem>> -> memref<1x64xi32, #tpu.memory_space<vmem>>
          %dma_wait3A_277 = tpu.memref_squeeze %dma_wait3A_276 : memref<1x64xi32, #tpu.memory_space<vmem>> -> memref<64xi32, #tpu.memory_space<vmem>>
          %dma_wait3A_278 = tpu.memref_slice %arg3[%mul3A_235] : memref<320000xi32, #tpu.memory_space<hbm>> -> memref<64xi32, #tpu.memory_space<hbm>>
          tpu.wait_dma2 semaphore(%run_scoped3A_262 : memref<!tpu.dma_semaphore, #tpu.memory_space<semaphore_mem>>) src(%dma_wait3A_278 : memref<64xi32, #tpu.memory_space<hbm>>) dst(%dma_wait3A_277 : memref<64xi32, #tpu.memory_space<vmem>>)
          tpu.yield
        }) : () -> ()
        %run_scoped3A_237 = arith.constant 0 : i32
        "tpu.region"() ({
          %run_scoped3A_262 = tpu.sem_alloc : memref<!tpu.dma_semaphore, #tpu.memory_space<semaphore_mem>>
          %dma_start3A_263 = arith.constant 0 : i32
          %dma_start3A_264 = tpu.memref_slice %arg7[%run_scoped3A_237, %dma_start3A_263] : memref<3x64xi32, #tpu.memory_space<vmem>> -> memref<1x64xi32, #tpu.memory_space<vmem>>
          %dma_start3A_265 = tpu.memref_squeeze %dma_start3A_264 : memref<1x64xi32, #tpu.memory_space<vmem>> -> memref<64xi32, #tpu.memory_space<vmem>>
          %dma_start3A_266 = tpu.memref_slice %arg4[%mul3A_235] : memref<320000xi32, #tpu.memory_space<hbm>> -> memref<64xi32, #tpu.memory_space<hbm>>
          %dma_start3A_267 = arith.constant 0 : i32
          %dma_start3A_268 = tpu.memref_slice %arg7[%run_scoped3A_237, %dma_start3A_267] : memref<3x64xi32, #tpu.memory_space<vmem>> -> memref<1x64xi32, #tpu.memory_space<vmem>>
          %dma_start3A_269 = tpu.memref_squeeze %dma_start3A_268 : memref<1x64xi32, #tpu.memory_space<vmem>> -> memref<64xi32, #tpu.memory_space<vmem>>
          %dma_start3A_270 = tpu.memref_slice %arg4[%mul3A_235] : memref<320000xi32, #tpu.memory_space<hbm>> -> memref<64xi32, #tpu.memory_space<hbm>>
          tpu.enqueue_dma source(%dma_start3A_270 : memref<64xi32, #tpu.memory_space<hbm>>) target(%dma_start3A_269 : memref<64xi32, #tpu.memory_space<vmem>>) target_semaphore(%run_scoped3A_262 : memref<!tpu.dma_semaphore, #tpu.memory_space<semaphore_mem>>)
          %dma_wait3A_271 = arith.constant 0 : i32
          %dma_wait3A_272 = tpu.memref_slice %arg7[%run_scoped3A_237, %dma_wait3A_271] : memref<3x64xi32, #tpu.memory_space<vmem>> -> memref<1x64xi32, #tpu.memory_space<vmem>>
          %dma_wait3A_273 = tpu.memref_squeeze %dma_wait3A_272 : memref<1x64xi32, #tpu.memory_space<vmem>> -> memref<64xi32, #tpu.memory_space<vmem>>
          %dma_wait3A_274 = tpu.memref_slice %arg4[%mul3A_235] : memref<320000xi32, #tpu.memory_space<hbm>> -> memref<64xi32, #tpu.memory_space<hbm>>
          %dma_wait3A_275 = arith.constant 0 : i32
          %dma_wait3A_276 = tpu.memref_slice %arg7[%run_scoped3A_237, %dma_wait3A_275] : memref<3x64xi32, #tpu.memory_space<vmem>> -> memref<1x64xi32, #tpu.memory_space<vmem>>
          %dma_wait3A_277 = tpu.memref_squeeze %dma_wait3A_276 : memref<1x64xi32, #tpu.memory_space<vmem>> -> memref<64xi32, #tpu.memory_space<vmem>>
          %dma_wait3A_278 = tpu.memref_slice %arg4[%mul3A_235] : memref<320000xi32, #tpu.memory_space<hbm>> -> memref<64xi32, #tpu.memory_space<hbm>>
          tpu.wait_dma2 semaphore(%run_scoped3A_262 : memref<!tpu.dma_semaphore, #tpu.memory_space<semaphore_mem>>) src(%dma_wait3A_278 : memref<64xi32, #tpu.memory_space<hbm>>) dst(%dma_wait3A_277 : memref<64xi32, #tpu.memory_space<vmem>>)
          tpu.yield
        }) : () -> ()
        %dma_start3A_238 = arith.constant 0 : i32
        %dma_start3A_239 = arith.constant 0 : i32
        %dma_start3A_240 = arith.constant 0 : i32
        %dma_start3A_241 = arith.constant 0 : i32
        %dma_start3A_242 = tpu.memref_slice %arg8[%dma_start3A_239, %dma_start3A_240, %dma_start3A_241] : memref<3x64x16xf32, #tpu.memory_space<vmem>> -> memref<1x64x16xf32, #tpu.memory_space<vmem>>
        %dma_start3A_243 = tpu.memref_squeeze %dma_start3A_242 : memref<1x64x16xf32, #tpu.memory_space<vmem>> -> memref<64x16xf32, #tpu.memory_space<vmem>>
        %dma_start3A_244 = arith.constant 0 : i32
        %dma_start3A_245 = tpu.memref_slice %arg6[%dma_start3A_238, %dma_start3A_244] : memref<3x64xi32, #tpu.memory_space<vmem>> -> memref<1x64xi32, #tpu.memory_space<vmem>>
        %dma_start3A_246 = tpu.memref_squeeze %dma_start3A_245 : memref<1x64xi32, #tpu.memory_space<vmem>> -> memref<64xi32, #tpu.memory_space<vmem>>
        %dma_start3A_247 = arith.constant 0 : i32
        %dma_start3A_248 = arith.constant 0 : i32
        %dma_start3A_249 = tpu.memref_slice %arg2[%dma_start3A_247, %dma_start3A_248] : memref<10000x16xf32, #tpu.memory_space<hbm>> -> memref<10000x16xf32, #tpu.memory_space<hbm>>
        tpu.enqueue_indirect_dma source(%dma_start3A_249 : memref<10000x16xf32, #tpu.memory_space<hbm>>) target(%dma_start3A_243 : memref<64x16xf32, #tpu.memory_space<vmem>>) offsets(%dma_start3A_246 : memref<64xi32, #tpu.memory_space<vmem>>) semaphore(%arg10 : memref<!tpu.dma_semaphore, #tpu.memory_space<semaphore_mem>>)
        %dma_start3A_250 = arith.constant 0 : i32
        %dma_start3A_251 = arith.constant 0 : i32
        %dma_start3A_252 = arith.constant 0 : i32
        %dma_start3A_253 = arith.constant 0 : i32
        %dma_start3A_254 = tpu.memref_slice %arg9[%dma_start3A_251, %dma_start3A_252, %dma_start3A_253] : memref<3x64x16xf32, #tpu.memory_space<vmem>> -> memref<1x64x16xf32, #tpu.memory_space<vmem>>
        %dma_start3A_255 = tpu.memref_squeeze %dma_start3A_254 : memref<1x64x16xf32, #tpu.memory_space<vmem>> -> memref<64x16xf32, #tpu.memory_space<vmem>>
        %dma_start3A_256 = arith.constant 0 : i32
        %dma_start3A_257 = tpu.memref_slice %arg7[%dma_start3A_250, %dma_start3A_256] : memref<3x64xi32, #tpu.memory_space<vmem>> -> memref<1x64xi32, #tpu.memory_space<vmem>>
        %dma_start3A_258 = tpu.memref_squeeze %dma_start3A_257 : memref<1x64xi32, #tpu.memory_space<vmem>> -> memref<64xi32, #tpu.memory_space<vmem>>
        %dma_start3A_259 = arith.constant 0 : i32
        %dma_start3A_260 = arith.constant 0 : i32
        %dma_start3A_261 = tpu.memref_slice %arg2[%dma_start3A_259, %dma_start3A_260] : memref<10000x16xf32, #tpu.memory_space<hbm>> -> memref<10000x16xf32, #tpu.memory_space<hbm>>
        tpu.enqueue_indirect_dma source(%dma_start3A_261 : memref<10000x16xf32, #tpu.memory_space<hbm>>) target(%dma_start3A_255 : memref<64x16xf32, #tpu.memory_space<vmem>>) offsets(%dma_start3A_258 : memref<64xi32, #tpu.memory_space<vmem>>) semaphore(%arg13 : memref<!tpu.dma_semaphore, #tpu.memory_space<semaphore_mem>>)
      } else {
      }
      %mul3A_184 = arith.constant 3 : i32
      %mul3A_185 = arith.muli %mul3A_184, %scan3A_66 : i32
      %add3A_186 = arith.constant 2 : i32
      %add3A_187 = arith.addi %mul3A_185, %add3A_186 : i32
      %mul3A_188 = arith.constant 32 : i32
      %mul3A_189 = arith.muli %add3A_187, %mul3A_188 : i32
      %add3A_190 = arith.addi %add3A, %mul3A_189 : i32
      %mul3A_191 = arith.constant 64 : i32
      %mul3A_192 = arith.muli %add3A_190, %mul3A_191 : i32
      %dma_wait3A_193 = arith.constant 2 : i32
      %dma_wait3A_194 = arith.constant 2 : i32
      %dma_wait3A_195 = arith.constant 0 : i32
      %dma_wait3A_196 = arith.constant 0 : i32
      %dma_wait3A_197 = tpu.memref_slice %arg8[%dma_wait3A_194, %dma_wait3A_195, %dma_wait3A_196] : memref<3x64x16xf32, #tpu.memory_space<vmem>> -> memref<1x64x16xf32, #tpu.memory_space<vmem>>
      %dma_wait3A_198 = tpu.memref_squeeze %dma_wait3A_197 : memref<1x64x16xf32, #tpu.memory_space<vmem>> -> memref<64x16xf32, #tpu.memory_space<vmem>>
      %dma_wait3A_199 = arith.constant 0 : i32
      %dma_wait3A_200 = tpu.memref_slice %arg6[%dma_wait3A_193, %dma_wait3A_199] : memref<3x64xi32, #tpu.memory_space<vmem>> -> memref<1x64xi32, #tpu.memory_space<vmem>>
      %dma_wait3A_201 = tpu.memref_squeeze %dma_wait3A_200 : memref<1x64xi32, #tpu.memory_space<vmem>> -> memref<64xi32, #tpu.memory_space<vmem>>
      %dma_wait3A_202 = arith.constant 0 : i32
      %dma_wait3A_203 = arith.constant 0 : i32
      %dma_wait3A_204 = tpu.memref_slice %arg2[%dma_wait3A_202, %dma_wait3A_203] : memref<10000x16xf32, #tpu.memory_space<hbm>> -> memref<10000x16xf32, #tpu.memory_space<hbm>>
      tpu.wait_indirect_dma semaphore(%arg12 : memref<!tpu.dma_semaphore, #tpu.memory_space<semaphore_mem>>) src(%dma_wait3A_204 : memref<10000x16xf32, #tpu.memory_space<hbm>>) dst(%dma_wait3A_198 : memref<64x16xf32, #tpu.memory_space<vmem>>)
      %dma_wait3A_205 = arith.constant 2 : i32
      %dma_wait3A_206 = arith.constant 2 : i32
      %dma_wait3A_207 = arith.constant 0 : i32
      %dma_wait3A_208 = arith.constant 0 : i32
      %dma_wait3A_209 = tpu.memref_slice %arg9[%dma_wait3A_206, %dma_wait3A_207, %dma_wait3A_208] : memref<3x64x16xf32, #tpu.memory_space<vmem>> -> memref<1x64x16xf32, #tpu.memory_space<vmem>>
      %dma_wait3A_210 = tpu.memref_squeeze %dma_wait3A_209 : memref<1x64x16xf32, #tpu.memory_space<vmem>> -> memref<64x16xf32, #tpu.memory_space<vmem>>
      %dma_wait3A_211 = arith.constant 0 : i32
      %dma_wait3A_212 = tpu.memref_slice %arg7[%dma_wait3A_205, %dma_wait3A_211] : memref<3x64xi32, #tpu.memory_space<vmem>> -> memref<1x64xi32, #tpu.memory_space<vmem>>
      %dma_wait3A_213 = tpu.memref_squeeze %dma_wait3A_212 : memref<1x64xi32, #tpu.memory_space<vmem>> -> memref<64xi32, #tpu.memory_space<vmem>>
      %dma_wait3A_214 = arith.constant 0 : i32
      %dma_wait3A_215 = arith.constant 0 : i32
      %dma_wait3A_216 = tpu.memref_slice %arg2[%dma_wait3A_214, %dma_wait3A_215] : memref<10000x16xf32, #tpu.memory_space<hbm>> -> memref<10000x16xf32, #tpu.memory_space<hbm>>
      tpu.wait_indirect_dma semaphore(%arg15 : memref<!tpu.dma_semaphore, #tpu.memory_space<semaphore_mem>>) src(%dma_wait3A_216 : memref<10000x16xf32, #tpu.memory_space<hbm>>) dst(%dma_wait3A_210 : memref<64x16xf32, #tpu.memory_space<vmem>>)
      %scan3A_217 = arith.constant 0 : i32
      %scan3A_218 = arith.constant 0 : i32
      %scan3A_219 = arith.constant 64 : i32
      %scan3A_220 = arith.addi %scan3A_218, %scan3A_219 : i32
      %scan3A_221 = arith.constant 1 : i32
      scf.for %scan3A_229 = %scan3A_218 to %scan3A_220 step %scan3A_221  : i32 {
        %get3A = arith.constant 2 : i32
        %get3A_230 = arith.index_cast %get3A : i32 to index
        %get3A_231 = arith.index_cast %scan3A_229 : i32 to index
        %get3A_232 = arith.constant 0 : index
        %get3A_233 = tpu.vector_load %arg8[%get3A_230, %get3A_231, %get3A_232] {strides = array<i32>} : memref<3x64x16xf32, #tpu.memory_space<vmem>>, vector<1x1x16xf32>,
        %get3A_234 = vector.shape_cast %get3A_233 : vector<1x1x16xf32> to vector<16xf32>
        %get3A_235 = arith.constant 2 : i32
        %get3A_236 = arith.index_cast %get3A_235 : i32 to index
        %get3A_237 = arith.index_cast %scan3A_229 : i32 to index
        %get3A_238 = arith.constant 0 : index
        %get3A_239 = tpu.vector_load %arg9[%get3A_236, %get3A_237, %get3A_238] {strides = array<i32>} : memref<3x64x16xf32, #tpu.memory_space<vmem>>, vector<1x1x16xf32>,
        %get3A_240 = vector.shape_cast %get3A_239 : vector<1x1x16xf32> to vector<16xf32>
        %sub3A = arith.subf %get3A_234, %get3A_240 : vector<16xf32>
        %swap3A = arith.constant 2 : i32
        %swap3A_241 = arith.index_cast %swap3A : i32 to index
        %swap3A_242 = arith.index_cast %scan3A_229 : i32 to index
        %swap3A_243 = arith.constant 0 : index
        %swap3A_244 = tpu.vector_load %arg8[%swap3A_241, %swap3A_242, %swap3A_243] {strides = array<i32>} : memref<3x64x16xf32, #tpu.memory_space<vmem>>, vector<1x1x16xf32>,
        %swap3A_245 = vector.shape_cast %swap3A_244 : vector<1x1x16xf32> to vector<16xf32>
        %swap3A_246 = vector.shape_cast %sub3A : vector<16xf32> to vector<1x1x16xf32>
        tpu.vector_store %arg8[%swap3A_241, %swap3A_242, %swap3A_243], %swap3A_246 {strides = array<i32>} : memref<3x64x16xf32, #tpu.memory_space<vmem>>, vector<1x1x16xf32>,
      }
      %scan3A_222 = arith.constant 64 : i32
      %run_scoped3A_223 = arith.constant 2 : i32
      "tpu.region"() ({
        %run_scoped3A_229 = tpu.sem_alloc : memref<!tpu.dma_semaphore, #tpu.memory_space<semaphore_mem>>
        %dma_start3A_230 = arith.constant 0 : i32
        %dma_start3A_231 = arith.constant 0 : i32
        %dma_start3A_232 = tpu.memref_slice %arg8[%run_scoped3A_223, %dma_start3A_230, %dma_start3A_231] : memref<3x64x16xf32, #tpu.memory_space<vmem>> -> memref<1x64x16xf32, #tpu.memory_space<vmem>>
        %dma_start3A_233 = tpu.memref_squeeze %dma_start3A_232 : memref<1x64x16xf32, #tpu.memory_space<vmem>> -> memref<64x16xf32, #tpu.memory_space<vmem>>
        %dma_start3A_234 = arith.constant 0 : i32
        %dma_start3A_235 = tpu.memref_slice %arg5[%mul3A_192, %dma_start3A_234] : memref<320000x16xf32, #tpu.memory_space<hbm>> -> memref<64x16xf32, #tpu.memory_space<hbm>>
        %dma_start3A_236 = arith.constant 0 : i32
        %dma_start3A_237 = tpu.memref_slice %arg5[%mul3A_192, %dma_start3A_236] : memref<320000x16xf32, #tpu.memory_space<hbm>> -> memref<64x16xf32, #tpu.memory_space<hbm>>
        %dma_start3A_238 = arith.constant 0 : i32
        %dma_start3A_239 = arith.constant 0 : i32
        %dma_start3A_240 = tpu.memref_slice %arg8[%run_scoped3A_223, %dma_start3A_238, %dma_start3A_239] : memref<3x64x16xf32, #tpu.memory_space<vmem>> -> memref<1x64x16xf32, #tpu.memory_space<vmem>>
        %dma_start3A_241 = tpu.memref_squeeze %dma_start3A_240 : memref<1x64x16xf32, #tpu.memory_space<vmem>> -> memref<64x16xf32, #tpu.memory_space<vmem>>
        tpu.enqueue_dma source(%dma_start3A_241 : memref<64x16xf32, #tpu.memory_space<vmem>>) target(%dma_start3A_237 : memref<64x16xf32, #tpu.memory_space<hbm>>) target_semaphore(%run_scoped3A_229 : memref<!tpu.dma_semaphore, #tpu.memory_space<semaphore_mem>>)
        %dma_wait3A_242 = arith.constant 0 : i32
        %dma_wait3A_243 = arith.constant 0 : i32
        %dma_wait3A_244 = tpu.memref_slice %arg8[%run_scoped3A_223, %dma_wait3A_242, %dma_wait3A_243] : memref<3x64x16xf32, #tpu.memory_space<vmem>> -> memref<1x64x16xf32, #tpu.memory_space<vmem>>
        %dma_wait3A_245 = tpu.memref_squeeze %dma_wait3A_244 : memref<1x64x16xf32, #tpu.memory_space<vmem>> -> memref<64x16xf32, #tpu.memory_space<vmem>>
        %dma_wait3A_246 = arith.constant 0 : i32
        %dma_wait3A_247 = tpu.memref_slice %arg5[%mul3A_192, %dma_wait3A_246] : memref<320000x16xf32, #tpu.memory_space<hbm>> -> memref<64x16xf32, #tpu.memory_space<hbm>>
        %dma_wait3A_248 = arith.constant 0 : i32
        %dma_wait3A_249 = tpu.memref_slice %arg5[%mul3A_192, %dma_wait3A_248] : memref<320000x16xf32, #tpu.memory_space<hbm>> -> memref<64x16xf32, #tpu.memory_space<hbm>>
        %dma_wait3A_250 = arith.constant 0 : i32
        %dma_wait3A_251 = arith.constant 0 : i32
        %dma_wait3A_252 = tpu.memref_slice %arg8[%run_scoped3A_223, %dma_wait3A_250, %dma_wait3A_251] : memref<3x64x16xf32, #tpu.memory_space<vmem>> -> memref<1x64x16xf32, #tpu.memory_space<vmem>>
        %dma_wait3A_253 = tpu.memref_squeeze %dma_wait3A_252 : memref<1x64x16xf32, #tpu.memory_space<vmem>> -> memref<64x16xf32, #tpu.memory_space<vmem>>
        tpu.wait_dma2 semaphore(%run_scoped3A_229 : memref<!tpu.dma_semaphore, #tpu.memory_space<semaphore_mem>>) src(%dma_wait3A_253 : memref<64x16xf32, #tpu.memory_space<vmem>>) dst(%dma_wait3A_249 : memref<64x16xf32, #tpu.memory_space<hbm>>)
        tpu.yield
      }) : () -> ()
      %lt3A_224 = arith.constant 51 : i32
      %lt3A_225 = arith.cmpi slt, %scan3A_66, %lt3A_224 : i32
      %convert_element_type3A_226 = arith.extui %lt3A_225 : i1 to i32
      %cond3A_227 = arith.constant 0 : i32
      %cond3A_228 = arith.cmpi ne, %convert_element_type3A_226, %cond3A_227 : i32
      scf.if %cond3A_228 {
        %add3A_229 = arith.constant 2 : i32
        %add3A_230 = arith.addi %add3A_187, %add3A_229 : i32
        %mul3A_231 = arith.constant 32 : i32
        %mul3A_232 = arith.muli %add3A_230, %mul3A_231 : i32
        %add3A_233 = arith.addi %add3A, %mul3A_232 : i32
        %mul3A_234 = arith.constant 64 : i32
        %mul3A_235 = arith.muli %add3A_233, %mul3A_234 : i32
        %run_scoped3A_236 = arith.constant 1 : i32
        "tpu.region"() ({
          %run_scoped3A_262 = tpu.sem_alloc : memref<!tpu.dma_semaphore, #tpu.memory_space<semaphore_mem>>
          %dma_start3A_263 = arith.constant 0 : i32
          %dma_start3A_264 = tpu.memref_slice %arg6[%run_scoped3A_236, %dma_start3A_263] : memref<3x64xi32, #tpu.memory_space<vmem>> -> memref<1x64xi32, #tpu.memory_space<vmem>>
          %dma_start3A_265 = tpu.memref_squeeze %dma_start3A_264 : memref<1x64xi32, #tpu.memory_space<vmem>> -> memref<64xi32, #tpu.memory_space<vmem>>
          %dma_start3A_266 = tpu.memref_slice %arg3[%mul3A_235] : memref<320000xi32, #tpu.memory_space<hbm>> -> memref<64xi32, #tpu.memory_space<hbm>>
          %dma_start3A_267 = arith.constant 0 : i32
          %dma_start3A_268 = tpu.memref_slice %arg6[%run_scoped3A_236, %dma_start3A_267] : memref<3x64xi32, #tpu.memory_space<vmem>> -> memref<1x64xi32, #tpu.memory_space<vmem>>
          %dma_start3A_269 = tpu.memref_squeeze %dma_start3A_268 : memref<1x64xi32, #tpu.memory_space<vmem>> -> memref<64xi32, #tpu.memory_space<vmem>>
          %dma_start3A_270 = tpu.memref_slice %arg3[%mul3A_235] : memref<320000xi32, #tpu.memory_space<hbm>> -> memref<64xi32, #tpu.memory_space<hbm>>
          tpu.enqueue_dma source(%dma_start3A_270 : memref<64xi32, #tpu.memory_space<hbm>>) target(%dma_start3A_269 : memref<64xi32, #tpu.memory_space<vmem>>) target_semaphore(%run_scoped3A_262 : memref<!tpu.dma_semaphore, #tpu.memory_space<semaphore_mem>>)
          %dma_wait3A_271 = arith.constant 0 : i32
          %dma_wait3A_272 = tpu.memref_slice %arg6[%run_scoped3A_236, %dma_wait3A_271] : memref<3x64xi32, #tpu.memory_space<vmem>> -> memref<1x64xi32, #tpu.memory_space<vmem>>
          %dma_wait3A_273 = tpu.memref_squeeze %dma_wait3A_272 : memref<1x64xi32, #tpu.memory_space<vmem>> -> memref<64xi32, #tpu.memory_space<vmem>>
          %dma_wait3A_274 = tpu.memref_slice %arg3[%mul3A_235] : memref<320000xi32, #tpu.memory_space<hbm>> -> memref<64xi32, #tpu.memory_space<hbm>>
          %dma_wait3A_275 = arith.constant 0 : i32
          %dma_wait3A_276 = tpu.memref_slice %arg6[%run_scoped3A_236, %dma_wait3A_275] : memref<3x64xi32, #tpu.memory_space<vmem>> -> memref<1x64xi32, #tpu.memory_space<vmem>>
          %dma_wait3A_277 = tpu.memref_squeeze %dma_wait3A_276 : memref<1x64xi32, #tpu.memory_space<vmem>> -> memref<64xi32, #tpu.memory_space<vmem>>
          %dma_wait3A_278 = tpu.memref_slice %arg3[%mul3A_235] : memref<320000xi32, #tpu.memory_space<hbm>> -> memref<64xi32, #tpu.memory_space<hbm>>
          tpu.wait_dma2 semaphore(%run_scoped3A_262 : memref<!tpu.dma_semaphore, #tpu.memory_space<semaphore_mem>>) src(%dma_wait3A_278 : memref<64xi32, #tpu.memory_space<hbm>>) dst(%dma_wait3A_277 : memref<64xi32, #tpu.memory_space<vmem>>)
          tpu.yield
        }) : () -> ()
        %run_scoped3A_237 = arith.constant 1 : i32
        "tpu.region"() ({
          %run_scoped3A_262 = tpu.sem_alloc : memref<!tpu.dma_semaphore, #tpu.memory_space<semaphore_mem>>
          %dma_start3A_263 = arith.constant 0 : i32
          %dma_start3A_264 = tpu.memref_slice %arg7[%run_scoped3A_237, %dma_start3A_263] : memref<3x64xi32, #tpu.memory_space<vmem>> -> memref<1x64xi32, #tpu.memory_space<vmem>>
          %dma_start3A_265 = tpu.memref_squeeze %dma_start3A_264 : memref<1x64xi32, #tpu.memory_space<vmem>> -> memref<64xi32, #tpu.memory_space<vmem>>
          %dma_start3A_266 = tpu.memref_slice %arg4[%mul3A_235] : memref<320000xi32, #tpu.memory_space<hbm>> -> memref<64xi32, #tpu.memory_space<hbm>>
          %dma_start3A_267 = arith.constant 0 : i32
          %dma_start3A_268 = tpu.memref_slice %arg7[%run_scoped3A_237, %dma_start3A_267] : memref<3x64xi32, #tpu.memory_space<vmem>> -> memref<1x64xi32, #tpu.memory_space<vmem>>
          %dma_start3A_269 = tpu.memref_squeeze %dma_start3A_268 : memref<1x64xi32, #tpu.memory_space<vmem>> -> memref<64xi32, #tpu.memory_space<vmem>>
          %dma_start3A_270 = tpu.memref_slice %arg4[%mul3A_235] : memref<320000xi32, #tpu.memory_space<hbm>> -> memref<64xi32, #tpu.memory_space<hbm>>
          tpu.enqueue_dma source(%dma_start3A_270 : memref<64xi32, #tpu.memory_space<hbm>>) target(%dma_start3A_269 : memref<64xi32, #tpu.memory_space<vmem>>) target_semaphore(%run_scoped3A_262 : memref<!tpu.dma_semaphore, #tpu.memory_space<semaphore_mem>>)
          %dma_wait3A_271 = arith.constant 0 : i32
          %dma_wait3A_272 = tpu.memref_slice %arg7[%run_scoped3A_237, %dma_wait3A_271] : memref<3x64xi32, #tpu.memory_space<vmem>> -> memref<1x64xi32, #tpu.memory_space<vmem>>
          %dma_wait3A_273 = tpu.memref_squeeze %dma_wait3A_272 : memref<1x64xi32, #tpu.memory_space<vmem>> -> memref<64xi32, #tpu.memory_space<vmem>>
          %dma_wait3A_274 = tpu.memref_slice %arg4[%mul3A_235] : memref<320000xi32, #tpu.memory_space<hbm>> -> memref<64xi32, #tpu.memory_space<hbm>>
          %dma_wait3A_275 = arith.constant 0 : i32
          %dma_wait3A_276 = tpu.memref_slice %arg7[%run_scoped3A_237, %dma_wait3A_275] : memref<3x64xi32, #tpu.memory_space<vmem>> -> memref<1x64xi32, #tpu.memory_space<vmem>>
          %dma_wait3A_277 = tpu.memref_squeeze %dma_wait3A_276 : memref<1x64xi32, #tpu.memory_space<vmem>> -> memref<64xi32, #tpu.memory_space<vmem>>
          %dma_wait3A_278 = tpu.memref_slice %arg4[%mul3A_235] : memref<320000xi32, #tpu.memory_space<hbm>> -> memref<64xi32, #tpu.memory_space<hbm>>
          tpu.wait_dma2 semaphore(%run_scoped3A_262 : memref<!tpu.dma_semaphore, #tpu.memory_space<semaphore_mem>>) src(%dma_wait3A_278 : memref<64xi32, #tpu.memory_space<hbm>>) dst(%dma_wait3A_277 : memref<64xi32, #tpu.memory_space<vmem>>)
          tpu.yield
        }) : () -> ()
        %dma_start3A_238 = arith.constant 1 : i32
        %dma_start3A_239 = arith.constant 1 : i32
        %dma_start3A_240 = arith.constant 0 : i32
        %dma_start3A_241 = arith.constant 0 : i32
        %dma_start3A_242 = tpu.memref_slice %arg8[%dma_start3A_239, %dma_start3A_240, %dma_start3A_241] : memref<3x64x16xf32, #tpu.memory_space<vmem>> -> memref<1x64x16xf32, #tpu.memory_space<vmem>>
        %dma_start3A_243 = tpu.memref_squeeze %dma_start3A_242 : memref<1x64x16xf32, #tpu.memory_space<vmem>> -> memref<64x16xf32, #tpu.memory_space<vmem>>
        %dma_start3A_244 = arith.constant 0 : i32
        %dma_start3A_245 = tpu.memref_slice %arg6[%dma_start3A_238, %dma_start3A_244] : memref<3x64xi32, #tpu.memory_space<vmem>> -> memref<1x64xi32, #tpu.memory_space<vmem>>
        %dma_start3A_246 = tpu.memref_squeeze %dma_start3A_245 : memref<1x64xi32, #tpu.memory_space<vmem>> -> memref<64xi32, #tpu.memory_space<vmem>>
        %dma_start3A_247 = arith.constant 0 : i32
        %dma_start3A_248 = arith.constant 0 : i32
        %dma_start3A_249 = tpu.memref_slice %arg2[%dma_start3A_247, %dma_start3A_248] : memref<10000x16xf32, #tpu.memory_space<hbm>> -> memref<10000x16xf32, #tpu.memory_space<hbm>>
        tpu.enqueue_indirect_dma source(%dma_start3A_249 : memref<10000x16xf32, #tpu.memory_space<hbm>>) target(%dma_start3A_243 : memref<64x16xf32, #tpu.memory_space<vmem>>) offsets(%dma_start3A_246 : memref<64xi32, #tpu.memory_space<vmem>>) semaphore(%arg11 : memref<!tpu.dma_semaphore, #tpu.memory_space<semaphore_mem>>)
        %dma_start3A_250 = arith.constant 1 : i32
        %dma_start3A_251 = arith.constant 1 : i32
        %dma_start3A_252 = arith.constant 0 : i32
        %dma_start3A_253 = arith.constant 0 : i32
        %dma_start3A_254 = tpu.memref_slice %arg9[%dma_start3A_251, %dma_start3A_252, %dma_start3A_253] : memref<3x64x16xf32, #tpu.memory_space<vmem>> -> memref<1x64x16xf32, #tpu.memory_space<vmem>>
        %dma_start3A_255 = tpu.memref_squeeze %dma_start3A_254 : memref<1x64x16xf32, #tpu.memory_space<vmem>> -> memref<64x16xf32, #tpu.memory_space<vmem>>
        %dma_start3A_256 = arith.constant 0 : i32
        %dma_start3A_257 = tpu.memref_slice %arg7[%dma_start3A_250, %dma_start3A_256] : memref<3x64xi32, #tpu.memory_space<vmem>> -> memref<1x64xi32, #tpu.memory_space<vmem>>
        %dma_start3A_258 = tpu.memref_squeeze %dma_start3A_257 : memref<1x64xi32, #tpu.memory_space<vmem>> -> memref<64xi32, #tpu.memory_space<vmem>>
        %dma_start3A_259 = arith.constant 0 : i32
        %dma_start3A_260 = arith.constant 0 : i32
        %dma_start3A_261 = tpu.memref_slice %arg2[%dma_start3A_259, %dma_start3A_260] : memref<10000x16xf32, #tpu.memory_space<hbm>> -> memref<10000x16xf32, #tpu.memory_space<hbm>>
        tpu.enqueue_indirect_dma source(%dma_start3A_261 : memref<10000x16xf32, #tpu.memory_space<hbm>>) target(%dma_start3A_255 : memref<64x16xf32, #tpu.memory_space<vmem>>) offsets(%dma_start3A_258 : memref<64xi32, #tpu.memory_space<vmem>>) semaphore(%arg14 : memref<!tpu.dma_semaphore, #tpu.memory_space<semaphore_mem>>)
      } else {
      }
    }
    %scan3A_63 = arith.constant 52 : i32
    %lt3A = arith.constant 8 : i32
    %lt3A_64 = arith.cmpi slt, %add3A, %lt3A : i32
    %convert_element_type3A = arith.extui %lt3A_64 : i1 to i32
    %cond3A = arith.constant 0 : i32
    %cond3A_65 = arith.cmpi ne, %convert_element_type3A, %cond3A : i32
    scf.if %cond3A_65 {
      %add3A_66 = arith.constant 4992 : i32
      %add3A_67 = arith.addi %add3A_66, %add3A : i32
      %mul3A_68 = arith.constant 64 : i32
      %mul3A_69 = arith.muli %add3A_67, %mul3A_68 : i32
      %run_scoped3A_70 = arith.constant 0 : i32
      "tpu.region"() ({
        %run_scoped3A_126 = tpu.sem_alloc : memref<!tpu.dma_semaphore, #tpu.memory_space<semaphore_mem>>
        %dma_start3A_127 = arith.constant 0 : i32
        %dma_start3A_128 = tpu.memref_slice %arg6[%run_scoped3A_70, %dma_start3A_127] : memref<3x64xi32, #tpu.memory_space<vmem>> -> memref<1x64xi32, #tpu.memory_space<vmem>>
        %dma_start3A_129 = tpu.memref_squeeze %dma_start3A_128 : memref<1x64xi32, #tpu.memory_space<vmem>> -> memref<64xi32, #tpu.memory_space<vmem>>
        %dma_start3A_130 = tpu.memref_slice %arg3[%mul3A_69] : memref<320000xi32, #tpu.memory_space<hbm>> -> memref<64xi32, #tpu.memory_space<hbm>>
        %dma_start3A_131 = arith.constant 0 : i32
        %dma_start3A_132 = tpu.memref_slice %arg6[%run_scoped3A_70, %dma_start3A_131] : memref<3x64xi32, #tpu.memory_space<vmem>> -> memref<1x64xi32, #tpu.memory_space<vmem>>
        %dma_start3A_133 = tpu.memref_squeeze %dma_start3A_132 : memref<1x64xi32, #tpu.memory_space<vmem>> -> memref<64xi32, #tpu.memory_space<vmem>>
        %dma_start3A_134 = tpu.memref_slice %arg3[%mul3A_69] : memref<320000xi32, #tpu.memory_space<hbm>> -> memref<64xi32, #tpu.memory_space<hbm>>
        tpu.enqueue_dma source(%dma_start3A_134 : memref<64xi32, #tpu.memory_space<hbm>>) target(%dma_start3A_133 : memref<64xi32, #tpu.memory_space<vmem>>) target_semaphore(%run_scoped3A_126 : memref<!tpu.dma_semaphore, #tpu.memory_space<semaphore_mem>>)
        %dma_wait3A_135 = arith.constant 0 : i32
        %dma_wait3A_136 = tpu.memref_slice %arg6[%run_scoped3A_70, %dma_wait3A_135] : memref<3x64xi32, #tpu.memory_space<vmem>> -> memref<1x64xi32, #tpu.memory_space<vmem>>
        %dma_wait3A_137 = tpu.memref_squeeze %dma_wait3A_136 : memref<1x64xi32, #tpu.memory_space<vmem>> -> memref<64xi32, #tpu.memory_space<vmem>>
        %dma_wait3A_138 = tpu.memref_slice %arg3[%mul3A_69] : memref<320000xi32, #tpu.memory_space<hbm>> -> memref<64xi32, #tpu.memory_space<hbm>>
        %dma_wait3A_139 = arith.constant 0 : i32
        %dma_wait3A_140 = tpu.memref_slice %arg6[%run_scoped3A_70, %dma_wait3A_139] : memref<3x64xi32, #tpu.memory_space<vmem>> -> memref<1x64xi32, #tpu.memory_space<vmem>>
        %dma_wait3A_141 = tpu.memref_squeeze %dma_wait3A_140 : memref<1x64xi32, #tpu.memory_space<vmem>> -> memref<64xi32, #tpu.memory_space<vmem>>
        %dma_wait3A_142 = tpu.memref_slice %arg3[%mul3A_69] : memref<320000xi32, #tpu.memory_space<hbm>> -> memref<64xi32, #tpu.memory_space<hbm>>
        tpu.wait_dma2 semaphore(%run_scoped3A_126 : memref<!tpu.dma_semaphore, #tpu.memory_space<semaphore_mem>>) src(%dma_wait3A_142 : memref<64xi32, #tpu.memory_space<hbm>>) dst(%dma_wait3A_141 : memref<64xi32, #tpu.memory_space<vmem>>)
        tpu.yield
      }) : () -> ()
      %run_scoped3A_71 = arith.constant 0 : i32
      "tpu.region"() ({
        %run_scoped3A_126 = tpu.sem_alloc : memref<!tpu.dma_semaphore, #tpu.memory_space<semaphore_mem>>
        %dma_start3A_127 = arith.constant 0 : i32
        %dma_start3A_128 = tpu.memref_slice %arg7[%run_scoped3A_71, %dma_start3A_127] : memref<3x64xi32, #tpu.memory_space<vmem>> -> memref<1x64xi32, #tpu.memory_space<vmem>>
        %dma_start3A_129 = tpu.memref_squeeze %dma_start3A_128 : memref<1x64xi32, #tpu.memory_space<vmem>> -> memref<64xi32, #tpu.memory_space<vmem>>
        %dma_start3A_130 = tpu.memref_slice %arg4[%mul3A_69] : memref<320000xi32, #tpu.memory_space<hbm>> -> memref<64xi32, #tpu.memory_space<hbm>>
        %dma_start3A_131 = arith.constant 0 : i32
        %dma_start3A_132 = tpu.memref_slice %arg7[%run_scoped3A_71, %dma_start3A_131] : memref<3x64xi32, #tpu.memory_space<vmem>> -> memref<1x64xi32, #tpu.memory_space<vmem>>
        %dma_start3A_133 = tpu.memref_squeeze %dma_start3A_132 : memref<1x64xi32, #tpu.memory_space<vmem>> -> memref<64xi32, #tpu.memory_space<vmem>>
        %dma_start3A_134 = tpu.memref_slice %arg4[%mul3A_69] : memref<320000xi32, #tpu.memory_space<hbm>> -> memref<64xi32, #tpu.memory_space<hbm>>
        tpu.enqueue_dma source(%dma_start3A_134 : memref<64xi32, #tpu.memory_space<hbm>>) target(%dma_start3A_133 : memref<64xi32, #tpu.memory_space<vmem>>) target_semaphore(%run_scoped3A_126 : memref<!tpu.dma_semaphore, #tpu.memory_space<semaphore_mem>>)
        %dma_wait3A_135 = arith.constant 0 : i32
        %dma_wait3A_136 = tpu.memref_slice %arg7[%run_scoped3A_71, %dma_wait3A_135] : memref<3x64xi32, #tpu.memory_space<vmem>> -> memref<1x64xi32, #tpu.memory_space<vmem>>
        %dma_wait3A_137 = tpu.memref_squeeze %dma_wait3A_136 : memref<1x64xi32, #tpu.memory_space<vmem>> -> memref<64xi32, #tpu.memory_space<vmem>>
        %dma_wait3A_138 = tpu.memref_slice %arg4[%mul3A_69] : memref<320000xi32, #tpu.memory_space<hbm>> -> memref<64xi32, #tpu.memory_space<hbm>>
        %dma_wait3A_139 = arith.constant 0 : i32
        %dma_wait3A_140 = tpu.memref_slice %arg7[%run_scoped3A_71, %dma_wait3A_139] : memref<3x64xi32, #tpu.memory_space<vmem>> -> memref<1x64xi32, #tpu.memory_space<vmem>>
        %dma_wait3A_141 = tpu.memref_squeeze %dma_wait3A_140 : memref<1x64xi32, #tpu.memory_space<vmem>> -> memref<64xi32, #tpu.memory_space<vmem>>
        %dma_wait3A_142 = tpu.memref_slice %arg4[%mul3A_69] : memref<320000xi32, #tpu.memory_space<hbm>> -> memref<64xi32, #tpu.memory_space<hbm>>
        tpu.wait_dma2 semaphore(%run_scoped3A_126 : memref<!tpu.dma_semaphore, #tpu.memory_space<semaphore_mem>>) src(%dma_wait3A_142 : memref<64xi32, #tpu.memory_space<hbm>>) dst(%dma_wait3A_141 : memref<64xi32, #tpu.memory_space<vmem>>)
        tpu.yield
      }) : () -> ()
      %dma_start3A_72 = arith.constant 0 : i32
      %dma_start3A_73 = arith.constant 0 : i32
      %dma_start3A_74 = arith.constant 0 : i32
      %dma_start3A_75 = arith.constant 0 : i32
      %dma_start3A_76 = tpu.memref_slice %arg8[%dma_start3A_73, %dma_start3A_74, %dma_start3A_75] : memref<3x64x16xf32, #tpu.memory_space<vmem>> -> memref<1x64x16xf32, #tpu.memory_space<vmem>>
      %dma_start3A_77 = tpu.memref_squeeze %dma_start3A_76 : memref<1x64x16xf32, #tpu.memory_space<vmem>> -> memref<64x16xf32, #tpu.memory_space<vmem>>
      %dma_start3A_78 = arith.constant 0 : i32
      %dma_start3A_79 = tpu.memref_slice %arg6[%dma_start3A_72, %dma_start3A_78] : memref<3x64xi32, #tpu.memory_space<vmem>> -> memref<1x64xi32, #tpu.memory_space<vmem>>
      %dma_start3A_80 = tpu.memref_squeeze %dma_start3A_79 : memref<1x64xi32, #tpu.memory_space<vmem>> -> memref<64xi32, #tpu.memory_space<vmem>>
      %dma_start3A_81 = arith.constant 0 : i32
      %dma_start3A_82 = arith.constant 0 : i32
      %dma_start3A_83 = tpu.memref_slice %arg2[%dma_start3A_81, %dma_start3A_82] : memref<10000x16xf32, #tpu.memory_space<hbm>> -> memref<10000x16xf32, #tpu.memory_space<hbm>>
      tpu.enqueue_indirect_dma source(%dma_start3A_83 : memref<10000x16xf32, #tpu.memory_space<hbm>>) target(%dma_start3A_77 : memref<64x16xf32, #tpu.memory_space<vmem>>) offsets(%dma_start3A_80 : memref<64xi32, #tpu.memory_space<vmem>>) semaphore(%arg10 : memref<!tpu.dma_semaphore, #tpu.memory_space<semaphore_mem>>)
      %dma_wait3A = arith.constant 0 : i32
      %dma_wait3A_84 = arith.constant 0 : i32
      %dma_wait3A_85 = arith.constant 0 : i32
      %dma_wait3A_86 = arith.constant 0 : i32
      %dma_wait3A_87 = tpu.memref_slice %arg8[%dma_wait3A_84, %dma_wait3A_85, %dma_wait3A_86] : memref<3x64x16xf32, #tpu.memory_space<vmem>> -> memref<1x64x16xf32, #tpu.memory_space<vmem>>
      %dma_wait3A_88 = tpu.memref_squeeze %dma_wait3A_87 : memref<1x64x16xf32, #tpu.memory_space<vmem>> -> memref<64x16xf32, #tpu.memory_space<vmem>>
      %dma_wait3A_89 = arith.constant 0 : i32
      %dma_wait3A_90 = tpu.memref_slice %arg6[%dma_wait3A, %dma_wait3A_89] : memref<3x64xi32, #tpu.memory_space<vmem>> -> memref<1x64xi32, #tpu.memory_space<vmem>>
      %dma_wait3A_91 = tpu.memref_squeeze %dma_wait3A_90 : memref<1x64xi32, #tpu.memory_space<vmem>> -> memref<64xi32, #tpu.memory_space<vmem>>
      %dma_wait3A_92 = arith.constant 0 : i32
      %dma_wait3A_93 = arith.constant 0 : i32
      %dma_wait3A_94 = tpu.memref_slice %arg2[%dma_wait3A_92, %dma_wait3A_93] : memref<10000x16xf32, #tpu.memory_space<hbm>> -> memref<10000x16xf32, #tpu.memory_space<hbm>>
      tpu.wait_indirect_dma semaphore(%arg10 : memref<!tpu.dma_semaphore, #tpu.memory_space<semaphore_mem>>) src(%dma_wait3A_94 : memref<10000x16xf32, #tpu.memory_space<hbm>>) dst(%dma_wait3A_88 : memref<64x16xf32, #tpu.memory_space<vmem>>)
      %dma_start3A_95 = arith.constant 0 : i32
      %dma_start3A_96 = arith.constant 0 : i32
      %dma_start3A_97 = arith.constant 0 : i32
      %dma_start3A_98 = arith.constant 0 : i32
      %dma_start3A_99 = tpu.memref_slice %arg9[%dma_start3A_96, %dma_start3A_97, %dma_start3A_98] : memref<3x64x16xf32, #tpu.memory_space<vmem>> -> memref<1x64x16xf32, #tpu.memory_space<vmem>>
      %dma_start3A_100 = tpu.memref_squeeze %dma_start3A_99 : memref<1x64x16xf32, #tpu.memory_space<vmem>> -> memref<64x16xf32, #tpu.memory_space<vmem>>
      %dma_start3A_101 = arith.constant 0 : i32
      %dma_start3A_102 = tpu.memref_slice %arg7[%dma_start3A_95, %dma_start3A_101] : memref<3x64xi32, #tpu.memory_space<vmem>> -> memref<1x64xi32, #tpu.memory_space<vmem>>
      %dma_start3A_103 = tpu.memref_squeeze %dma_start3A_102 : memref<1x64xi32, #tpu.memory_space<vmem>> -> memref<64xi32, #tpu.memory_space<vmem>>
      %dma_start3A_104 = arith.constant 0 : i32
      %dma_start3A_105 = arith.constant 0 : i32
      %dma_start3A_106 = tpu.memref_slice %arg2[%dma_start3A_104, %dma_start3A_105] : memref<10000x16xf32, #tpu.memory_space<hbm>> -> memref<10000x16xf32, #tpu.memory_space<hbm>>
      tpu.enqueue_indirect_dma source(%dma_start3A_106 : memref<10000x16xf32, #tpu.memory_space<hbm>>) target(%dma_start3A_100 : memref<64x16xf32, #tpu.memory_space<vmem>>) offsets(%dma_start3A_103 : memref<64xi32, #tpu.memory_space<vmem>>) semaphore(%arg13 : memref<!tpu.dma_semaphore, #tpu.memory_space<semaphore_mem>>)
      %dma_wait3A_107 = arith.constant 0 : i32
      %dma_wait3A_108 = arith.constant 0 : i32
      %dma_wait3A_109 = arith.constant 0 : i32
      %dma_wait3A_110 = arith.constant 0 : i32
      %dma_wait3A_111 = tpu.memref_slice %arg9[%dma_wait3A_108, %dma_wait3A_109, %dma_wait3A_110] : memref<3x64x16xf32, #tpu.memory_space<vmem>> -> memref<1x64x16xf32, #tpu.memory_space<vmem>>
      %dma_wait3A_112 = tpu.memref_squeeze %dma_wait3A_111 : memref<1x64x16xf32, #tpu.memory_space<vmem>> -> memref<64x16xf32, #tpu.memory_space<vmem>>
      %dma_wait3A_113 = arith.constant 0 : i32
      %dma_wait3A_114 = tpu.memref_slice %arg7[%dma_wait3A_107, %dma_wait3A_113] : memref<3x64xi32, #tpu.memory_space<vmem>> -> memref<1x64xi32, #tpu.memory_space<vmem>>
      %dma_wait3A_115 = tpu.memref_squeeze %dma_wait3A_114 : memref<1x64xi32, #tpu.memory_space<vmem>> -> memref<64xi32, #tpu.memory_space<vmem>>
      %dma_wait3A_116 = arith.constant 0 : i32
      %dma_wait3A_117 = arith.constant 0 : i32
      %dma_wait3A_118 = tpu.memref_slice %arg2[%dma_wait3A_116, %dma_wait3A_117] : memref<10000x16xf32, #tpu.memory_space<hbm>> -> memref<10000x16xf32, #tpu.memory_space<hbm>>
      tpu.wait_indirect_dma semaphore(%arg13 : memref<!tpu.dma_semaphore, #tpu.memory_space<semaphore_mem>>) src(%dma_wait3A_118 : memref<10000x16xf32, #tpu.memory_space<hbm>>) dst(%dma_wait3A_112 : memref<64x16xf32, #tpu.memory_space<vmem>>)
      %scan3A_119 = arith.constant 0 : i32
      %scan3A_120 = arith.constant 0 : i32
      %scan3A_121 = arith.constant 64 : i32
      %scan3A_122 = arith.addi %scan3A_120, %scan3A_121 : i32
      %scan3A_123 = arith.constant 1 : i32
      scf.for %scan3A_126 = %scan3A_120 to %scan3A_122 step %scan3A_123  : i32 {
        %get3A = arith.constant 0 : i32
        %get3A_127 = arith.index_cast %get3A : i32 to index
        %get3A_128 = arith.index_cast %scan3A_126 : i32 to index
        %get3A_129 = arith.constant 0 : index
        %get3A_130 = tpu.vector_load %arg8[%get3A_127, %get3A_128, %get3A_129] {strides = array<i32>} : memref<3x64x16xf32, #tpu.memory_space<vmem>>, vector<1x1x16xf32>,
        %get3A_131 = vector.shape_cast %get3A_130 : vector<1x1x16xf32> to vector<16xf32>
        %get3A_132 = arith.constant 0 : i32
        %get3A_133 = arith.index_cast %get3A_132 : i32 to index
        %get3A_134 = arith.index_cast %scan3A_126 : i32 to index
        %get3A_135 = arith.constant 0 : index
        %get3A_136 = tpu.vector_load %arg9[%get3A_133, %get3A_134, %get3A_135] {strides = array<i32>} : memref<3x64x16xf32, #tpu.memory_space<vmem>>, vector<1x1x16xf32>,
        %get3A_137 = vector.shape_cast %get3A_136 : vector<1x1x16xf32> to vector<16xf32>
        %sub3A = arith.subf %get3A_131, %get3A_137 : vector<16xf32>
        %swap3A = arith.constant 0 : i32
        %swap3A_138 = arith.index_cast %swap3A : i32 to index
        %swap3A_139 = arith.index_cast %scan3A_126 : i32 to index
        %swap3A_140 = arith.constant 0 : index
        %swap3A_141 = tpu.vector_load %arg8[%swap3A_138, %swap3A_139, %swap3A_140] {strides = array<i32>} : memref<3x64x16xf32, #tpu.memory_space<vmem>>, vector<1x1x16xf32>,
        %swap3A_142 = vector.shape_cast %swap3A_141 : vector<1x1x16xf32> to vector<16xf32>
        %swap3A_143 = vector.shape_cast %sub3A : vector<16xf32> to vector<1x1x16xf32>
        tpu.vector_store %arg8[%swap3A_138, %swap3A_139, %swap3A_140], %swap3A_143 {strides = array<i32>} : memref<3x64x16xf32, #tpu.memory_space<vmem>>, vector<1x1x16xf32>,
      }
      %scan3A_124 = arith.constant 64 : i32
      %run_scoped3A_125 = arith.constant 0 : i32
      "tpu.region"() ({
        %run_scoped3A_126 = tpu.sem_alloc : memref<!tpu.dma_semaphore, #tpu.memory_space<semaphore_mem>>
        %dma_start3A_127 = arith.constant 0 : i32
        %dma_start3A_128 = arith.constant 0 : i32
        %dma_start3A_129 = tpu.memref_slice %arg8[%run_scoped3A_125, %dma_start3A_127, %dma_start3A_128] : memref<3x64x16xf32, #tpu.memory_space<vmem>> -> memref<1x64x16xf32, #tpu.memory_space<vmem>>
        %dma_start3A_130 = tpu.memref_squeeze %dma_start3A_129 : memref<1x64x16xf32, #tpu.memory_space<vmem>> -> memref<64x16xf32, #tpu.memory_space<vmem>>
        %dma_start3A_131 = arith.constant 0 : i32
        %dma_start3A_132 = tpu.memref_slice %arg5[%mul3A_69, %dma_start3A_131] : memref<320000x16xf32, #tpu.memory_space<hbm>> -> memref<64x16xf32, #tpu.memory_space<hbm>>
        %dma_start3A_133 = arith.constant 0 : i32
        %dma_start3A_134 = tpu.memref_slice %arg5[%mul3A_69, %dma_start3A_133] : memref<320000x16xf32, #tpu.memory_space<hbm>> -> memref<64x16xf32, #tpu.memory_space<hbm>>
        %dma_start3A_135 = arith.constant 0 : i32
        %dma_start3A_136 = arith.constant 0 : i32
        %dma_start3A_137 = tpu.memref_slice %arg8[%run_scoped3A_125, %dma_start3A_135, %dma_start3A_136] : memref<3x64x16xf32, #tpu.memory_space<vmem>> -> memref<1x64x16xf32, #tpu.memory_space<vmem>>
        %dma_start3A_138 = tpu.memref_squeeze %dma_start3A_137 : memref<1x64x16xf32, #tpu.memory_space<vmem>> -> memref<64x16xf32, #tpu.memory_space<vmem>>
        tpu.enqueue_dma source(%dma_start3A_138 : memref<64x16xf32, #tpu.memory_space<vmem>>) target(%dma_start3A_134 : memref<64x16xf32, #tpu.memory_space<hbm>>) target_semaphore(%run_scoped3A_126 : memref<!tpu.dma_semaphore, #tpu.memory_space<semaphore_mem>>)
        %dma_wait3A_139 = arith.constant 0 : i32
        %dma_wait3A_140 = arith.constant 0 : i32
        %dma_wait3A_141 = tpu.memref_slice %arg8[%run_scoped3A_125, %dma_wait3A_139, %dma_wait3A_140] : memref<3x64x16xf32, #tpu.memory_space<vmem>> -> memref<1x64x16xf32, #tpu.memory_space<vmem>>
        %dma_wait3A_142 = tpu.memref_squeeze %dma_wait3A_141 : memref<1x64x16xf32, #tpu.memory_space<vmem>> -> memref<64x16xf32, #tpu.memory_space<vmem>>
        %dma_wait3A_143 = arith.constant 0 : i32
        %dma_wait3A_144 = tpu.memref_slice %arg5[%mul3A_69, %dma_wait3A_143] : memref<320000x16xf32, #tpu.memory_space<hbm>> -> memref<64x16xf32, #tpu.memory_space<hbm>>
        %dma_wait3A_145 = arith.constant 0 : i32
        %dma_wait3A_146 = tpu.memref_slice %arg5[%mul3A_69, %dma_wait3A_145] : memref<320000x16xf32, #tpu.memory_space<hbm>> -> memref<64x16xf32, #tpu.memory_space<hbm>>
        %dma_wait3A_147 = arith.constant 0 : i32
        %dma_wait3A_148 = arith.constant 0 : i32
        %dma_wait3A_149 = tpu.memref_slice %arg8[%run_scoped3A_125, %dma_wait3A_147, %dma_wait3A_148] : memref<3x64x16xf32, #tpu.memory_space<vmem>> -> memref<1x64x16xf32, #tpu.memory_space<vmem>>
        %dma_wait3A_150 = tpu.memref_squeeze %dma_wait3A_149 : memref<1x64x16xf32, #tpu.memory_space<vmem>> -> memref<64x16xf32, #tpu.memory_space<vmem>>
        tpu.wait_dma2 semaphore(%run_scoped3A_126 : memref<!tpu.dma_semaphore, #tpu.memory_space<semaphore_mem>>) src(%dma_wait3A_150 : memref<64x16xf32, #tpu.memory_space<vmem>>) dst(%dma_wait3A_146 : memref<64x16xf32, #tpu.memory_space<hbm>>)
        tpu.yield
      }) : () -> ()
    } else {
    }
    return
  }
}

</mosaic_0001>

<sc_bundles>
// kernel: _dpos_call.3.cloned.1.call-start
scs
__scs_entry_jumppad:
0x0: {  	(pc) =	sbr.rel $0x88, $3  }
0x1: {  	(tag) =	ssettag $0x0;
	lr =	simm.s32 $0x1  }
0x2: {  	[smem:$0x3F9E] =	sst lr;
	_ =	strace $0xD0000000  }
0x3: {  	_ = 	snop  }
0x4: {  	_ = 	snop  }
0x5: {  	_ = 	snop  }
0x6: {  	_ = 	snop  }
0x7: {  	_ = 	snop  }
__scs_overlays_trampoline_lowered:
0x8: {  	[smem:$0x3FAD] =	sst s0  }
0x9: {  	[smem:$0x3FAE] =	sst s1  }
0xa: {  	[smem:$0x3FAF] =	sst s2  }
0xb: {  	[smem:$0x3FB0] =	sst s3  }
0xc: {  	[smem:$0x3FB1] =	sst s4  }
0xd: {  	[smem:$0x3FB2] =	sst s5  }
0xe: {  	[smem:$0x3FB3] =	sst s6  }
0xf: {  	[smem:$0x3FB4] =	sst s7  }
0x10: {  	[smem:$0x3FB5] =	sst s8  }
0x11: {  	[smem:$0x3FB6] =	sst s9;
	s0 =	simm.s32 @!p0 $0x0  }
0x12: {  	s1 =	sld [smem:$0x3F9C];
	s0 =	simm.s32 @p0 $0x1  }
0x13: {  	[smem:$0x3FB7] =	sst s0;
	s0 =	simm.s32 @!p1 $0x0  }
0x14: {  	s2 =	sld [smem:$0x3F9B];
	s0 =	simm.s32 @p1 $0x1  }
0x15: {  	[smem:$0x3FB8] =	sst s0;
	s0 =	simm.s32 @!p2 $0x0  }
0x16: {  	s3 =	sld [smem:$0x3FDB];
	s0 =	simm.s32 @p2 $0x1  }
0x17: {  	s4 =	simm.s32 $0x1BF5;
	[smem:$0x3FBA] =	sst s0  }
0x18: {  	s0 =	sld [smem:$0x3F9D];
	_ =	swait.ge [sflag:s4], $0x0  }
0x19: {  	s7 =	sld [smem:$0x3F9E]  }
0x1a: {  	s8 =	sadd.s32 $0xFFFFE003, lr  }
0x1b: {  	s9 =	sadd.s32 $0xFFFFFEF7, lr;
	s5 =	simm.s32 $0xFFFFFFFF;
	p2 =	slt.u32 s8, $0xFFFFF086  }
0x1c: {  	p1 =	slt.u32 s9, $0xF7A;
	s5 =	simm.s32 @!p2 $0x0  }
0x1d: {  	s5 =	simm.s32 @p1 $0x1;
	p0 =	seq.s32 s7, s2  }
0x1e: {  	s7 =	smul.u32 @!p0 $0xF7A, s2;
	p2 =	seq.s32 @!p0 s5, $0x0  }
0x1f: {  	s9 =	smul.u32 $0xF7A, s1;
	s8 =	simm.s32 @!p0 $0x1BF5;
	p2 =	por !p2, p0  }
0x20: {  	[sflag:s8] =	ssyncset.s32 @!p0 $0xFFFFF086;
	s6 =	sadd.s32 @!p0 s3, s7;
	s7 =	simm.s32 @!p0 $0x108  }
0x21: {  	s3 =	sadd.s32 s3, s9;
	s6 =	sadd.s32 @!p0 $0x88, s6;
	s7 =	simm.s32 @p2 $0x1082  }
0x22: {  	[simem:s7], [sflag:s8] =	dma.local @!p0 [hbm:s6], $0xF7A  }
0x23: {  	s9 =	sor.u32 $0xD0000000, s2;
	s6 =	simm.s32 $0x108;
	_ =	swait.ge @!p0 [sflag:s8], $0x0  }
0x24: {  	s3 =	sadd.s32 $0x88, s3;
	s6 =	simm.s32 @!p1 $0x1082;
	[sflag:s4] =	ssyncset.s32 $0xFFFFF086  }
0x25: {  	[simem:s6], [sflag:s4] =	dma.local [hbm:s3], $0xF7A  }
0x26: {  	[smem:$0x3F9E] =	sst s1;
	(tag) =	ssettag s2;
	_ =	strace s9  }
0x27: {  	s1 =	sld [smem:$0x3FAE]  }
0x28: {  	s2 =	sld [smem:$0x3FAF]  }
0x29: {  	s4 =	sld [smem:$0x3FB1]  }
0x2a: {  	p0 =	seq.s32 s5, $0x0;
	s5 =	sld [smem:$0x3FB2]  }
0x2b: {  	s6 =	sld [smem:$0x3FB3]  }
0x2c: {  	s7 =	sld [smem:$0x3FB4]  }
0x2d: {  	s3 =	simm.s32 $0x108;
	s8 =	sld [smem:$0x3FB5]  }
0x2e: {  	s3 =	simm.s32 @!p0 $0x1082;
	s9 =	sld [smem:$0x3FB6]  }
0x2f: {  	lr =	sadd.s32 s0, s3;
	s0 =	sld [smem:$0x3FAD]  }
0x30: {  	s3 =	sld [smem:$0x3FB0]  }
0x31: {  	[smem:$0x3FB9] =	sst s10  }
0x32: {  	s10 =	sld [smem:$0x3FB7];
	_ =	sdelay $0x3  }
0x33: {  	p0 =	seq.s32 s10, $0x1;
	s10 =	sld [smem:$0x3FB9];
	_ =	sdelay $0x3  }
0x34: {  	[smem:$0x3FB9] =	sst s10  }
0x35: {  	s10 =	sld [smem:$0x3FB8];
	_ =	sdelay $0x3  }
0x36: {  	p1 =	seq.s32 s10, $0x1;
	s10 =	sld [smem:$0x3FB9];
	_ =	sdelay $0x3  }
0x37: {  	[smem:$0x3FB9] =	sst s10  }
0x38: {  	s10 =	sld [smem:$0x3FBA]  }
0x39: {  	_ = 	snop;
	(pc) =	sbr.ind lr, $3  }
0x3a: {  	_ = 	snop  }
0x3b: {  	_ = 	snop  }
0x3c: {  	p2 =	seq.s32 s10, $0x1;
	s10 =	sld [smem:$0x3FB9]  }
0x3d: {  	_ =	shalt  }
0x3e: {  	_ =	shalt  }
0x3f: {  	_ =	shalt  }
0x40: {  	_ =	shalt  }
0x41: {  	_ =	shalt  }
0x42: {  	_ =	shalt  }
0x43: {  	_ =	shalt  }
0x44: {  	_ =	shalt  }
0x45: {  	_ =	shalt  }
0x46: {  	_ =	shalt  }
0x47: {  	_ =	shalt  }
0x48: {  	_ =	shalt  }
0x49: {  	_ =	shalt  }
0x4a: {  	_ =	shalt  }
0x4b: {  	_ =	shalt  }
0x4c: {  	_ =	shalt  }
0x4d: {  	_ =	shalt  }
0x4e: {  	_ =	shalt  }
0x4f: {  	_ =	shalt  }
0x50: {  	_ =	shalt  }
0x51: {  	_ =	shalt  }
0x52: {  	_ =	shalt  }
0x53: {  	_ =	shalt  }
0x54: {  	_ =	shalt  }
0x55: {  	_ =	shalt  }
0x56: {  	_ =	shalt  }
0x57: {  	_ =	shalt  }
0x58: {  	_ =	shalt  }
0x59: {  	_ =	shalt  }
0x5a: {  	_ =	shalt  }
0x5b: {  	_ =	shalt  }
0x5c: {  	_ =	shalt  }
0x5d: {  	_ =	shalt  }
0x5e: {  	_ =	shalt  }
0x5f: {  	_ =	shalt  }
0x60: {  	_ =	shalt  }
0x61: {  	_ =	shalt  }
0x62: {  	_ =	shalt  }
0x63: {  	_ =	shalt  }
0x64: {  	_ =	shalt  }
0x65: {  	_ =	shalt  }
0x66: {  	_ =	shalt  }
0x67: {  	_ =	shalt  }
0x68: {  	_ =	shalt  }
0x69: {  	_ =	shalt  }
0x6a: {  	_ =	shalt  }
0x6b: {  	_ =	shalt  }
0x6c: {  	_ =	shalt  }
0x6d: {  	_ =	shalt  }
0x6e: {  	_ =	shalt  }
0x6f: {  	_ =	shalt  }
0x70: {  	_ =	shalt  }
0x71: {  	_ =	shalt  }
0x72: {  	_ =	shalt  }
0x73: {  	_ =	shalt  }
0x74: {  	_ =	shalt  }
0x75: {  	_ =	shalt  }
0x76: {  	_ =	shalt  }
0x77: {  	_ =	shalt  }
0x78: {  	_ =	shalt  }
0x79: {  	_ =	shalt  }
0x7a: {  	_ =	shalt  }
0x7b: {  	_ =	shalt  }
0x7c: {  	_ =	shalt  }
0x7d: {  	_ =	shalt  }
0x7e: {  	_ =	shalt  }
0x7f: {  	_ =	shalt  }
0x80: {  	_ =	shalt  }
0x81: {  	_ =	shalt  }
0x82: {  	_ =	shalt  }
0x83: {  	_ =	shalt  }
0x84: {  	_ =	shalt  }
0x85: {  	_ =	shalt  }
0x86: {  	_ =	shalt  }
0x87: {  	_ =	shalt  }
.Lfunc_end0:
.L_simem_size_0:
called_computation_lowered:
.L_overlay_start_0:
0x88: {  	s2 =	sld [smem:$0x3FD9]  }
0x89: {  	s3 =	sld [smem:$0x3FFE];
	_ =	sdelay $0x1  }
0x8a: {  	s1 =	srdreg.scid  }
0x8b: {  	s0 =	sand.u32 $0x1, s1  }
0x8c: {  	s17 =	sshll.u32 s0, $0xA;
	s2 =	sadd.s32 s3, s2  }
0x8d: {  	s2 =	sadd.s32 s2, s17  }
0x8e: {  	[smem:$0x3FC5] =	sst s2  }
0x8f: {  	_ = 	snop  }
0x90: {  	s2 =	sld [smem:$0x3FC8]  }
0x91: {  	s18 =	sld [smem:$0x3FC7]  }
0x92: {  	s4 =	sld [smem:$0x3FD0];
	(tm) =	ssettm $0x1  }
0x93: {  	s5 =	sld [smem:$0x3FFB];
	_ =	sdelay $0x3  }
0x94: {  	_ =	strace s5  }
0x95: {  	s5 =	sld [smem:$0x3FFC];
	_ =	sdelay $0x3  }
0x96: {  	_ =	strace s5  }
0x97: {  	s5 =	sld [smem:$0x3FFD];
	_ =	sdelay $0x3  }
0x98: {  	_ =	strace s5  }
0x99: {  	_ =	strace $0x8FFFFFFF  }
0x9a: {  	s19 =	sld [smem:$0x3FDB];
	_ =	sdelay $0x1  }
0x9b: {  	s6 =	simm.s32 $_scs_section_size  }
0x9c: {  	s7 =	simm.s32 $_size__tile_overlayer_lowered;
	s8 =	simm.s32 $_tile_overlayer_lowered  }
0x9d: {  	s22 =	simm.s32 $0x1BFF;
	s21 =	sshll.u32 s8, $0x1;
	s5 =	sadd.s32 s6, s19  }
0x9e: {  	s9 =	simm.s32 $0x0;
	s20 =	sshll.u32 s7, $0x1;
	s7 =	sadd.s32 s21, s5  }
0x9f: {  	[timem:s9], [sflag:s22] =	dma.local [hbm:s7], s20  }
0xa0: {  	_ =	swait.ge [sflag:s22], s20  }
0xa1: {  	s6 =	ssub.s32 $0x0, s20;
	[sflag:s22] =	ssyncset.done $0x0  }
0xa2: {  	[sflag:s22] =	ssyncadd.s32 s6;
	_ =	sdelay $0x1  }
0xa3: {  	s23 =	simm.s32 $0x1B8B  }
0xa4: {  	_ =	swait.ge [sflag:s23], $0x1  }
0xa5: {  	[sflag:s23] =	ssyncset.done $0x0  }
0xa6: {  	s25 =	simm.s32 $0x1B8E;
	s24 =	sld [smem:$0x3FFE];
	[sflag:s23] =	ssyncadd.s32 $0xFFFFFFFF  }
0xa7: {  	s26 =	simm.s32 $execute0_lowered;
	[smem:$0x3FD2] =	sst s25  }
0xa8: {  	s7 =	sshll.u32 s26, $0x1;
	_ =	strace $0x80000046;
	[dreg:$0x1] =	wrdreg $0xFFFFFFFF  }
0xa9: {  	s28 =	simm.s32 $_size_execute0_lowered;
	s5 =	sadd.s32 s5, s7;
	[dreg:$0x0] =	wrdreg $0x0  }
0xaa: {  	s7 =	sshll.u32 s28, $0x1;
	[dreg:$0x2] =	wrdreg s5  }
0xab: {  	[dreg:$0x3] =	wrdreg s7  }
0xac: {  	[dreg:$0x4] =	wrdreg $0xC0  }
0xad: {  	_ =	task [dreg:s9], $0x5FFFF  }
0xae: {  	[dreg:$0x1] =	wrdreg $0xFFFFFFFF  }
0xaf: {  	[dreg:$0x0] =	wrdreg $0x60  }
0xb0: {  	[dreg:$0x2] =	wrdreg s24  }
0xb1: {  	[dreg:$0x3] =	wrdreg s2  }
0xb2: {  	[dreg:$0x4] =	wrdreg s18  }
0xb3: {  	[dreg:$0x5] =	wrdreg s4  }
0xb4: {  	[dreg:$0x6] =	wrdreg $0x9  }
0xb5: {  	_ =	task.clear_ibuf [dreg:s9], $0x7FFFF;
	_ =	strace $0x90000046  }
0xb6: {  	s29 =	simm.s32 $0x9;
	_ =	strace $0x80000048  }
0xb7: {  	_ =	swait.ge [sflag:s29], $0x1  }
0xb8: {  	[sflag:s29] =	ssyncadd.s32 $0xFFFFFFFF  }
0xb9: {  	_ =	strace $0x90000048  }
0xba: {  	_ =	sfence  }
0xbb: {  	s30 =	sld [smem:$0x0];
	_ =	sdelay $0x2  }
0xbc: {  	s31 =	sshll.u32 s1, $0xD;
	s1 =	sshrl.u32 s1, $0x2  }
0xbd: {  	s3 =	sand.u32 $0x4000, s31;
	s1 =	sadd.s32 s1, s30  }
0xbe: {  	s0 =	sor.u32 s3, s0;
	s1 =	sshll.u32 s1, $0x11  }
0xbf: {  	s0 =	sor.u32 s1, s0  }
0xc0: {  	s0 =	sadd.s32 $0x8F2B, s0  }
0xc1: {  	[sflag:s0] =	ssyncadd.remote.s32 $0x1  }
0xc2: {  	_ =	sfence.sel $0xFFFF  }
0xc3: {  	[dreg:$0x0] =	wrdreg $0xFFFFFFFF;
	(pc) =	sbr.abs _section_cstart, $3  }
0xc4: {  	[dreg:$0x1] =	wrdreg $0xFFFFFFFF  }
0xc5: {  	_ =	task.clear_ibuf [dreg:s9], $0x2FFFF;
	_ =	strace $0x9FFFFFFF  }
0xc6: {  	(tm) =	ssettm $0x7FFFFFFF  }
0xc7: {  	_ =	shalt  }
tec
execute0_lowered:
.L_overlay_start_1:
0x0: {  	(tag) =	ssettag $0x1  }
0x1: {  	s0 =	rddreg [dreg:$0x0]  }
0x2: {  	s1 =	rddreg [dreg:$0x1]  }
0x3: {  	s3 =	rddreg [dreg:$0x2]  }
0x4: {  	s4 =	rddreg [dreg:$0x3];
	s2 =	srdreg.scid  }
0x5: {  	s10 =	stileid.u32;
	s5 =	simm.s32 $0x0;
	s29 =	simm.s32 $0x1  }
0x6: {  	s30 =	simm.s32 $0x4;
	s31 =	simm.s32 $0x80;
	s17 =	simm.s32 $0x2  }
0x7: {  	s18 =	simm.s32 $0x5;
	s2 =	sand.u32 $0x1, s2;
	s6 =	sshll.u32 s10, $0x1  }
0x8: {  	[smem:$0x7FF] =	sst s5;
	s7 =	sadd.s32 $0x400, s0;
	p0 =	sgt.u32 s10, $0x3  }
0x9: {  	s10 =	simm.s32 $0x0;
	s8 =	ssub.s32 $0x2, s2;
	s6 =	sor.u32 s2, s6  }
0xa: {  	_ =	strace $0x80000047;
	s20 =	sshrl.u32 s8, $0x1;
	s9 =	sshll.u32 s6, $0x3  }
0xb: {  	s24 =	sshll.u32 s6, $0x6;
	s12 =	sor.u32 $0x40, s6;
	s13 =	sor.u32 $0x20, s6  }
0xc: {  	s14 =	sor.u32 $0x60, s6;
	s15 =	sor.u32 $0x80, s6;
	s21 =	ssub.s32 s8, s20  }
0xd: {  	s22 =	sadd.s32 s1, s9;
	s23 =	sadd.s32 s3, s9;
	s25 =	sor.u32 $0x100, s9  }
0xe: {  	s2 =	sor.u32 $0x4E000, s24;
	s20 =	simm.s32 $0x7;
	[dreg:$0x5] =	wrdreg s22  }
0xf: {  	s24 =	simm.s32 $0x3;
	[dreg:$0x6] =	wrdreg s23;
	s9 =	sadd.s32 s1, s25  }
0x10: {  	s8 =	sadd.s32 s3, s25;
	s26 =	sshrl.u32 s2, $0x3;
	s2 =	sshll.u32 s2, $0x1  }
0x11: {  	s0 =	smax.u32 s21, $0x1;
	s22 =	simm.s32 $0x40;
	[dreg:$0x7] =	wrdreg s9  }
.Ltmp0:
0x12: {  	s23 =	simm.s32 $0x180;
	[dreg:$0x8] =	wrdreg s8;
	(pc) =	sbr.rel .LBB2_1-.Ltmp0, $4  }
0x13: {  	s25 =	simm.s32 $0x100;
	s28 =	sadd.s32 s1, s26;
	[dreg:$0xc] =	wrdreg s0  }
0x14: {  	s8 =	sadd.s32 s3, s26;
	s2 =	sadd.s32 s4, s2;
	[dreg:$0x9] =	wrdreg s28  }
0x15: {  	s26 =	simm.s32 $0x580;
	s0 =	simm.s32 $0x140;
	[dreg:$0xa] =	wrdreg s8  }
0x16: {  	[dreg:$0xb] =	wrdreg s2;
	s2 =	simm.s32 $0x980;
	s8 =	simm.s32 $0x6  }
.LBB2_14:
0x17: {  	s10 =	sadd.s32 $0x1, s10;
	s9 =	rddreg [dreg:$0xc]  }
0x18: {  	p1 =	sne.s32 s10, s9  }
.Ltmp1:
0x19: {  	_ = 	snop;
	(pc) =	sbr.rel @!p1 .LBB2_15-.Ltmp1, $1  }
0x1a: {  	_ =	sdelay $0x3  }
.LBB2_1:
0x1b: {  	[dreg:$0xd] =	wrdreg s10  }
0x1c: {  	s9 =	rddreg [dreg:$0x5]  }
0x1d: {  	[tilespmem:s5], [sflag:$0x7] =	stream.linear.gather [hbm4b:s9+s5], $0x40, $0x38;
	[tilespmem:$0x1980] =	vst v63  }
0x1e: {  	_ =	swait.ge [sflag:s20], $0x40  }
0x1f: {  	[sflag:s20] =	ssyncset.done $0x0  }
0x20: {  	s11 =	simm.s32 $0xC0;
	s10 =	rddreg [dreg:$0x6];
	[sflag:s20] =	ssyncadd.s32 $0xFFFFFFC0  }
0x21: {  	[tilespmem:s11], [sflag:$0x7] =	stream.linear.gather [hbm4b:s10+s5], $0x40, $0x38;
	[tilespmem:$0x1980] =	vst v63  }
0x22: {  	_ =	swait.ge [sflag:s20], $0x40  }
0x23: {  	[sflag:s20] =	ssyncset.done $0x0  }
0x24: {  	[sflag:s20] =	ssyncadd.s32 $0xFFFFFFC0  }
0x25: {  	[tilespmem:s23], [sflag:$0x1] =	stream.indirect.gather [hbm4b:s7+s22], $0x10, s5, s22, $0xb8;
	[tilespmem:$0x1980] =	vst v63  }
0x26: {  	s16 =	simm.s32 $0xD80  }
0x27: {  	[tilespmem:s16], [sflag:$0x4] =	stream.indirect.gather [hbm4b:s7+s22], $0x10, s11, s22, $0xb8;
	[tilespmem:$0x1980] =	vst v63  }
0x28: {  	s19 =	rddreg [dreg:$0x7]  }
0x29: {  	[tilespmem:s22], [sflag:$0x7] =	stream.linear.gather [hbm4b:s19+s5], $0x40, $0x38;
	[tilespmem:$0x1980] =	vst v63  }
0x2a: {  	_ =	swait.ge [sflag:s20], $0x40  }
0x2b: {  	[sflag:s20] =	ssyncset.done $0x0  }
0x2c: {  	s21 =	rddreg [dreg:$0x8];
	[sflag:s20] =	ssyncadd.s32 $0xFFFFFFC0  }
0x2d: {  	[tilespmem:s25], [sflag:$0x7] =	stream.linear.gather [hbm4b:s21+s5], $0x40, $0x38;
	[tilespmem:$0x1980] =	vst v63  }
0x2e: {  	_ =	swait.ge [sflag:s20], $0x40  }
0x2f: {  	[sflag:s20] =	ssyncset.done $0x0  }
0x30: {  	[sflag:s20] =	ssyncadd.s32 $0xFFFFFFC0  }
0x31: {  	[tilespmem:s26], [sflag:$0x2] =	stream.indirect.gather [hbm4b:s7+s22], $0x10, s22, s22, $0xb8;
	[tilespmem:$0x1980] =	vst v63  }
0x32: {  	s28 =	simm.s32 $0x1180;
	s10 =	simm.s32 $0x0  }
0x33: {  	[tilespmem:s28], [sflag:$0x5] =	stream.indirect.gather [hbm4b:s7+s22], $0x10, s25, s22, $0xb8;
	[tilespmem:$0x1980] =	vst v63  }
.LBB2_2:
0x34: {  	_ =	swait.ge [sflag:s29], $0x400  }
0x35: {  	[sflag:s29] =	ssyncset.done $0x0  }
0x36: {  	[sflag:s29] =	ssyncadd.s32 $0xFFFFFC00  }
0x37: {  	_ =	swait.ge [sflag:s30], $0x400  }
0x38: {  	[sflag:s30] =	ssyncset.done $0x0  }
0x39: {  	s19 =	simm.s32 $0x0;
	[sflag:s30] =	ssyncadd.s32 $0xFFFFFC00  }
0x3a: {  	s11 =	simm.s32 $0x40;
	v0 =	vld [tilespmem:s19+$0xD80]  }
.LBB2_3:
0x3b: {  	p1 =	sne.s32 s11, $0xFC0;
	v1 =	vld [tilespmem:s19+$0x180];
	_ =	sdelay $0x2  }
.Ltmp2:
0x3c: {  	(pc) =	sbr.rel @p1 .LBB2_3-.Ltmp2, $4  }
0x3d: {  	_ = 	snop  }
0x3e: {  	v1 =	vsub.f32 v1, v0  }
0x3f: {  	s9 =	sshra.s32 s11, $0x2  }
0x40: {  	s11 =	sadd.s32 $0x40, s11;
	v0 =	vld [tilespmem:s9+$0xD80];
	[tilespmem:s19+$0x180] =	vst v1;
	s19 =	smov.u32 s9  }
0x41: {  	v1 =	vld [tilespmem:s19+$0x180];
	_ =	sdelay $0x2  }
0x42: {  	s11 =	smul.u32 $0x60, s10;
	_ =	sdelay $0x1  }
0x43: {  	s9 =	sor.u32 s6, s11;
	v0 =	vsub.f32 v1, v0  }
0x44: {  	s9 =	sshll.u32 s9, $0x7  }
0x45: {  	s21 =	simm.s32 $0x0;
	s9 =	sadd.s32 s4, s9;
	[tilespmem:s19+$0x180] =	vst v0  }
0x46: {  	[hbm4b:s9+s21] =	stream.linear.scatter [tilespmem:s23], [sflag:$0x7], $0x400, $0x38;
	[tilespmem:$0x1980] =	vst v63  }
0x47: {  	s19 =	sadd.s32 s12, s11;
	_ =	swait.ge [sflag:s20], $0x400  }
0x48: {  	s16 =	sshll.u32 s19, $0x3;
	[sflag:s20] =	ssyncset.done $0x0  }
0x49: {  	s28 =	sadd.s32 s1, s16;
	[sflag:s20] =	ssyncadd.s32 $0xFFFFFC00  }
0x4a: {  	[tilespmem:s31], [sflag:$0x7] =	stream.linear.gather [hbm4b:s28+s21], $0x40, $0x38;
	[tilespmem:$0x1980] =	vst v63  }
0x4b: {  	_ =	swait.ge [sflag:s20], $0x40  }
0x4c: {  	[sflag:s20] =	ssyncset.done $0x0  }
0x4d: {  	s9 =	sadd.s32 s3, s16;
	[sflag:s20] =	ssyncadd.s32 $0xFFFFFFC0  }
0x4e: {  	[tilespmem:s0], [sflag:$0x7] =	stream.linear.gather [hbm4b:s9+s21], $0x40, $0x38;
	[tilespmem:$0x1980] =	vst v63  }
0x4f: {  	_ =	swait.ge [sflag:s20], $0x40  }
0x50: {  	[sflag:s20] =	ssyncset.done $0x0  }
0x51: {  	[sflag:s20] =	ssyncadd.s32 $0xFFFFFFC0  }
0x52: {  	[tilespmem:s2], [sflag:$0x3] =	stream.indirect.gather [hbm4b:s7+s22], $0x10, s31, s22, $0xb8;
	[tilespmem:$0x1980] =	vst v63  }
0x53: {  	s28 =	simm.s32 $0x1580  }
0x54: {  	[tilespmem:s28], [sflag:$0x6] =	stream.indirect.gather [hbm4b:s7+s22], $0x10, s0, s22, $0xb8;
	[tilespmem:$0x1980] =	vst v63  }
0x55: {  	_ =	swait.ge [sflag:s17], $0x400  }
0x56: {  	[sflag:s17] =	ssyncset.done $0x0  }
0x57: {  	[sflag:s17] =	ssyncadd.s32 $0xFFFFFC00  }
0x58: {  	_ =	swait.ge [sflag:s18], $0x400  }
0x59: {  	[sflag:s18] =	ssyncset.done $0x0  }
0x5a: {  	s21 =	simm.s32 $0x0;
	[sflag:s18] =	ssyncadd.s32 $0xFFFFFC00  }
0x5b: {  	s9 =	simm.s32 $0x40;
	v0 =	vld [tilespmem:s21+$0x1180]  }
.LBB2_5:
0x5c: {  	p1 =	sne.s32 s9, $0xFC0;
	v1 =	vld [tilespmem:s21+$0x580];
	_ =	sdelay $0x2  }
.Ltmp3:
0x5d: {  	(pc) =	sbr.rel @p1 .LBB2_5-.Ltmp3, $4  }
0x5e: {  	_ = 	snop  }
0x5f: {  	v1 =	vsub.f32 v1, v0  }
0x60: {  	s28 =	sshra.s32 s9, $0x2  }
0x61: {  	s9 =	sadd.s32 $0x40, s9;
	v0 =	vld [tilespmem:s28+$0x1180];
	[tilespmem:s21+$0x580] =	vst v1;
	s21 =	smov.u32 s28  }
0x62: {  	v1 =	vld [tilespmem:s21+$0x580];
	_ =	sdelay $0x4  }
0x63: {  	s9 =	sadd.s32 s13, s11;
	v0 =	vsub.f32 v1, v0  }
0x64: {  	s9 =	sshll.u32 s9, $0x7  }
0x65: {  	p1 =	seq.s32 s10, $0x33;
	s9 =	sadd.s32 s4, s9;
	[tilespmem:s21+$0x580] =	vst v0  }
0x66: {  	[hbm4b:s9+s5] =	stream.linear.scatter [tilespmem:s26], [sflag:$0x7], $0x400, $0x38;
	[tilespmem:$0x1980] =	vst v63  }
0x67: {  	s9 =	sadd.s32 @!p1 s14, s11;
	_ =	swait.ge [sflag:s20], $0x400  }
0x68: {  	s9 =	sshll.u32 @!p1 s9, $0x3;
	[sflag:s20] =	ssyncset.done $0x0  }
0x69: {  	s28 =	simm.s32 @!p1 $0x0;
	s21 =	sadd.s32 @!p1 s1, s9;
	[sflag:s20] =	ssyncadd.s32 $0xFFFFFC00  }
0x6a: {  	[tilespmem:s28], [sflag:$0x7] =	stream.linear.gather @!p1 [hbm4b:s21+s28], $0x40, $0x38;
	[tilespmem:$0x1980] =	vst v63  }
0x6b: {  	s21 =	simm.s32 @!p1 $0x7  }
0x6c: {  	_ =	swait.ge @!p1 [sflag:s21], $0x40  }
0x6d: {  	[sflag:s21] =	ssyncset.done @!p1 $0x0  }
0x6e: {  	s16 =	simm.s32 @!p1 $0xC0;
	s9 =	sadd.s32 @!p1 s3, s9;
	[sflag:s21] =	ssyncadd.s32 @!p1 $0xFFFFFFC0  }
0x6f: {  	[tilespmem:s16], [sflag:$0x7] =	stream.linear.gather @!p1 [hbm4b:s9+s28], $0x40, $0x38;
	[tilespmem:$0x1980] =	vst v63  }
0x70: {  	_ =	swait.ge @!p1 [sflag:s21], $0x40  }
0x71: {  	[sflag:s21] =	ssyncset.done @!p1 $0x0  }
0x72: {  	s9 =	simm.s32 @!p1 $0x40;
	[sflag:s21] =	ssyncadd.s32 @!p1 $0xFFFFFFC0;
	s21 =	simm.s32 @!p1 $0x180  }
0x73: {  	[tilespmem:s21], [sflag:$0x1] =	stream.indirect.gather @!p1 [hbm4b:s7+s9], $0x10, s28, s9, $0xb8;
	[tilespmem:$0x1980] =	vst v63  }
0x74: {  	s21 =	simm.s32 @!p1 $0xD80  }
0x75: {  	[tilespmem:s21], [sflag:$0x4] =	stream.indirect.gather @!p1 [hbm4b:s7+s9], $0x10, s16, s9, $0xb8;
	[tilespmem:$0x1980] =	vst v63  }
0x76: {  	_ =	swait.ge [sflag:s24], $0x400  }
0x77: {  	[sflag:s24] =	ssyncset.done $0x0  }
0x78: {  	[sflag:s24] =	ssyncadd.s32 $0xFFFFFC00  }
0x79: {  	_ =	swait.ge [sflag:s8], $0x400  }
0x7a: {  	[sflag:s8] =	ssyncset.done $0x0  }
0x7b: {  	s21 =	simm.s32 $0x0;
	[sflag:s8] =	ssyncadd.s32 $0xFFFFFC00  }
0x7c: {  	s9 =	simm.s32 $0x40;
	v0 =	vld [tilespmem:s21+$0x1580]  }
.LBB2_7:
0x7d: {  	p2 =	sne.s32 s9, $0xFC0;
	v1 =	vld [tilespmem:s21+$0x980];
	_ =	sdelay $0x2  }
.Ltmp4:
0x7e: {  	(pc) =	sbr.rel @p2 .LBB2_7-.Ltmp4, $4  }
0x7f: {  	_ = 	snop  }
0x80: {  	v1 =	vsub.f32 v1, v0  }
0x81: {  	s16 =	sshra.s32 s9, $0x2  }
0x82: {  	s9 =	sadd.s32 $0x40, s9;
	v0 =	vld [tilespmem:s16+$0x1580];
	[tilespmem:s21+$0x980] =	vst v1;
	s21 =	smov.u32 s16  }
0x83: {  	v1 =	vld [tilespmem:s21+$0x980];
	_ =	sdelay $0x4  }
0x84: {  	v0 =	vsub.f32 v1, v0  }
0x85: {  	s9 =	sshll.u32 s19, $0x7  }
.Ltmp5:
0x86: {  	s9 =	sadd.s32 s4, s9;
	[tilespmem:s21+$0x980] =	vst v0;
	(pc) =	sbr.rel @p1 .LBB2_10-.Ltmp5, $4  }
0x87: {  	[hbm4b:s9+s5] =	stream.linear.scatter [tilespmem:s2], [sflag:$0x7], $0x400, $0x38;
	[tilespmem:$0x1980] =	vst v63  }
0x88: {  	_ =	swait.ge [sflag:s20], $0x400  }
0x89: {  	[sflag:s20] =	ssyncset.done $0x0  }
0x8a: {  	[sflag:s20] =	ssyncadd.s32 $0xFFFFFC00  }
0x8b: {  	s9 =	sadd.s32 s15, s11  }
0x8c: {  	s9 =	sshll.u32 s9, $0x3  }
0x8d: {  	s21 =	sadd.s32 s1, s9  }
0x8e: {  	[tilespmem:s22], [sflag:$0x7] =	stream.linear.gather [hbm4b:s21+s5], $0x40, $0x38;
	[tilespmem:$0x1980] =	vst v63  }
0x8f: {  	_ =	swait.ge [sflag:s20], $0x40  }
0x90: {  	[sflag:s20] =	ssyncset.done $0x0  }
0x91: {  	s9 =	sadd.s32 s3, s9;
	[sflag:s20] =	ssyncadd.s32 $0xFFFFFFC0  }
0x92: {  	[tilespmem:s25], [sflag:$0x7] =	stream.linear.gather [hbm4b:s9+s5], $0x40, $0x38;
	[tilespmem:$0x1980] =	vst v63  }
0x93: {  	_ =	swait.ge [sflag:s20], $0x40  }
.Ltmp6:
0x94: {  	[sflag:s20] =	ssyncset.done $0x0;
	(pc) =	sbr.rel .LBB2_2-.Ltmp6, $4  }
0x95: {  	[sflag:s20] =	ssyncadd.s32 $0xFFFFFFC0  }
0x96: {  	[tilespmem:s26], [sflag:$0x2] =	stream.indirect.gather [hbm4b:s7+s22], $0x10, s22, s22, $0xb8;
	[tilespmem:$0x1980] =	vst v63  }
0x97: {  	s28 =	simm.s32 $0x1180;
	s10 =	sadd.s32 $0x1, s10  }
0x98: {  	[tilespmem:s28], [sflag:$0x5] =	stream.indirect.gather [hbm4b:s7+s22], $0x10, s25, s22, $0xb8;
	[tilespmem:$0x1980] =	vst v63  }
.LBB2_10:
.Ltmp7:
0x99: {  	(pc) =	sbr.rel @p0 .LBB2_14-.Ltmp7, $2  }
0x9a: {  	_ =	sdelay $0x2  }
0x9b: {  	s10 =	rddreg [dreg:$0xd]  }
0x9c: {  	s9 =	simm.s32 $0x0;
	s10 =	rddreg [dreg:$0x9]  }
0x9d: {  	[tilespmem:s9], [sflag:$0x7] =	stream.linear.gather [hbm4b:s10+s9], $0x40, $0x38;
	[tilespmem:$0x1980] =	vst v63  }
0x9e: {  	_ =	swait.ge [sflag:s20], $0x40  }
0x9f: {  	[sflag:s20] =	ssyncset.done $0x0  }
0xa0: {  	s11 =	simm.s32 $0xC0;
	s21 =	rddreg [dreg:$0xa];
	[sflag:s20] =	ssyncadd.s32 $0xFFFFFFC0  }
0xa1: {  	[tilespmem:s11], [sflag:$0x7] =	stream.linear.gather [hbm4b:s21+s9], $0x40, $0x38;
	[tilespmem:$0x1980] =	vst v63  }
0xa2: {  	_ =	swait.ge [sflag:s20], $0x40  }
0xa3: {  	[sflag:s20] =	ssyncset.done $0x0  }
0xa4: {  	[sflag:s20] =	ssyncadd.s32 $0xFFFFFFC0  }
0xa5: {  	[tilespmem:s23], [sflag:$0x1] =	stream.indirect.gather [hbm4b:s7+s22], $0x10, s9, s22, $0xb8;
	[tilespmem:$0x1980] =	vst v63  }
0xa6: {  	_ =	swait.ge [sflag:s29], $0x400  }
0xa7: {  	[sflag:s29] =	ssyncset.done $0x0  }
0xa8: {  	s28 =	simm.s32 $0xD80;
	[sflag:s29] =	ssyncadd.s32 $0xFFFFFC00  }
0xa9: {  	[tilespmem:s28], [sflag:$0x4] =	stream.indirect.gather [hbm4b:s7+s22], $0x10, s11, s22, $0xb8;
	[tilespmem:$0x1980] =	vst v63  }
0xaa: {  	_ =	swait.ge [sflag:s30], $0x400  }
0xab: {  	[sflag:s30] =	ssyncset.done $0x0  }
0xac: {  	s10 =	simm.s32 $0x0;
	[sflag:s30] =	ssyncadd.s32 $0xFFFFFC00  }
0xad: {  	s9 =	simm.s32 $0x40;
	v0 =	vld [tilespmem:s10+$0xD80]  }
.LBB2_12:
0xae: {  	p1 =	sne.s32 s9, $0xFC0;
	v1 =	vld [tilespmem:s10+$0x180];
	_ =	sdelay $0x2  }
.Ltmp8:
0xaf: {  	(pc) =	sbr.rel @p1 .LBB2_12-.Ltmp8, $4  }
0xb0: {  	_ = 	snop  }
0xb1: {  	v1 =	vsub.f32 v1, v0  }
0xb2: {  	s11 =	sshra.s32 s9, $0x2  }
0xb3: {  	s9 =	sadd.s32 $0x40, s9;
	v0 =	vld [tilespmem:s11+$0xD80];
	[tilespmem:s10+$0x180] =	vst v1;
	s10 =	smov.u32 s11  }
0xb4: {  	v1 =	vld [tilespmem:s10+$0x180];
	_ =	sdelay $0x4  }
0xb5: {  	v0 =	vsub.f32 v1, v0;
	_ =	sdelay $0x1  }
.Ltmp9:
0xb6: {  	s9 =	rddreg [dreg:$0xb];
	[tilespmem:s10+$0x180] =	vst v0;
	(pc) =	sbr.rel .LBB2_14-.Ltmp9, $4  }
0xb7: {  	[hbm4b:s9+s5] =	stream.linear.scatter [tilespmem:s23], [sflag:$0x7], $0x400, $0x38;
	[tilespmem:$0x1980] =	vst v63  }
0xb8: {  	_ =	swait.ge [sflag:s20], $0x400  }
0xb9: {  	[sflag:s20] =	ssyncset.done $0x0  }
0xba: {  	s10 =	rddreg [dreg:$0xd];
	[sflag:s20] =	ssyncadd.s32 $0xFFFFFC00  }
.LBB2_15:
0xbb: {  	_ =	sfence.sel $0x180000  }
0xbc: {  	[bflag:$0x0] =	sbarrier.arrive $0xFFFF  }
0xbd: {  	_ =	strace $0x90000047  }
0xbe: {  	s0 =	stileid.u32;
	[bflag:$0x2] =	sbarrier.arrive $0xFFFF  }
0xbf: {  	p0 =	sne.s32 s0, $0x0;
	s0 =	rddreg [dreg:$0x4]  }
0xc0: {  	s0 =	sadd.s32 @!p0 $0x100000, s0  }
0xc1: {  	[sflag:s0] =	ssyncadd.tile.s32 @!p0 $0x1;
	_ =	shalt  }
.Lfunc_end2:
_tile_overlayer_lowered:
.L_overlay_start_2:
0xc2: {  	(tag) =	ssettag $0x2  }
0xc3: {  	s0 =	rddreg [dreg:$0x0];
	s2 =	stileid.u32  }
0xc4: {  	s1 =	rddreg [dreg:$0x1];
	p0 =	sne.s32 s2, $0x0  }
0xc5: {  	s3 =	rddreg [dreg:$0x2];
	[bflag:$0x3] =	sbarrier.arrive $0xFFFF;
	s2 =	simm.s32 @!p0 $0x1C07  }
0xc6: {  	[timem:s3], [sflag:s2] =	dma.local @!p0 [hbm:s0], s1  }
0xc7: {  	s0 =	simm.s32 @!p0 $0x7  }
0xc8: {  	_ =	swait.ge @!p0 [sflag:s0], s1  }
0xc9: {  	s1 =	ssub.s32 @!p0 $0x0, s1;
	[sflag:s0] =	ssyncset.done @!p0 $0x0  }
0xca: {  	[sflag:s0] =	ssyncadd.s32 @!p0 s1  }
0xcb: {  	[bflag:$0x3] =	sbarrier.arrive $0xFFFF  }
0xcc: {  	_ =	shalt  }

</sc_bundles>
